<compile_context>
chip_gen: v7x
topology: tpu7x:2x2x1
jax: 0.10.2.dev20260603
libtpu: 0.0.44.dev20260713+nightly
codegen_flags: <defaults>
</compile_context>

<pallas_src>
import functools

import jax
import jax.numpy as jnp
from jax import lax
from jax.experimental import pallas as pl
from jax.experimental.pallas import tpu as pltpu
from jax.experimental.pallas import tpu_sc as plsc

N = 10000
E = 320000
D = 128
EPS = 1e-5

NC = 2
NS = 16
NW = NC * NS
EB = 128
KB = 80
GB = 16
E_PAD = NW * KB * EB
N_PAD = 10240
ROWS_PER_TILE = N_PAD // NS
BLK = 1000
NBLK = N // BLK



def _sc_body(feat_hbm, src_hbm, dst_hbm,
             agg_out, deg_out,
             src_v, dst_v, buf0, buf1, deg_loc, sem0, sem1, agg_sh):
    cid = lax.axis_index("c")
    sid = lax.axis_index("s")
    tid = cid * NS + sid

    zero16 = jnp.zeros((16,), jnp.float32)

    def zrow(r, carry):
        for c in range(D // 16):
            buf0[r, pl.ds(c * 16, 16)] = zero16
        return carry

    lax.fori_loop(0, EB, zrow, 0)

    def zdeg(i, carry):
        deg_loc[pl.ds(i * 16, 16)] = zero16
        return carry

    lax.fori_loop(0, N_PAD // 16, zdeg, 0)

    r0 = sid * ROWS_PER_TILE
    for k in range(ROWS_PER_TILE // EB):
        pltpu.sync_copy(buf0, agg_sh.at[pl.ds(r0 + k * EB, EB)])

    plsc.subcore_barrier()

    def hist(j):
        for c in range(EB // 16):
            idx16 = dst_v[j, pl.ds(c * 16, 16)]
            cnt, last = plsc.scan_count(idx16)
            plsc.addupdate_scatter(
                deg_loc, [idx16], cnt.astype(jnp.float32), mask=last)

    def outer(g, carry):
        rows = tid * KB + g * GB + lax.iota(jnp.int32, GB)
        pltpu.sync_copy(src_hbm.at[rows], src_v)
        pltpu.sync_copy(dst_hbm.at[rows], dst_v)

        pltpu.async_copy(feat_hbm.at[src_v.at[0]], buf0, sem0)

        def pair(p, c2):
            j0 = 2 * p
            pltpu.async_copy(feat_hbm.at[src_v.at[j0 + 1]], buf1, sem1)
            hist(j0)
            pltpu.make_async_copy(
                feat_hbm.at[src_v.at[j0]], buf0, sem0).wait()
            pltpu.sync_copy(buf0, agg_sh.at[dst_v.at[j0]], add=True)

            @pl.when(p + 1 < GB // 2)
            def _():
                pltpu.async_copy(feat_hbm.at[src_v.at[j0 + 2]], buf0, sem0)

            hist(j0 + 1)
            pltpu.make_async_copy(
                feat_hbm.at[src_v.at[j0 + 1]], buf1, sem1).wait()
            pltpu.sync_copy(buf1, agg_sh.at[dst_v.at[j0 + 1]], add=True)
            return c2

        lax.fori_loop(0, GB // 2, pair, 0)
        return carry

    lax.fori_loop(0, KB // GB, outer, 0)

    plsc.subcore_barrier()

    last = N - (NS - 1) * ROWS_PER_TILE

    @pl.when(sid < NS - 1)
    def _():
        pltpu.sync_copy(agg_sh.at[pl.ds(r0, ROWS_PER_TILE)],
                        agg_out.at[cid, pl.ds(r0, ROWS_PER_TILE)])

    @pl.when(sid == NS - 1)
    def _():
        pltpu.sync_copy(agg_sh.at[pl.ds(r0, last)],
                        agg_out.at[cid, pl.ds(r0, last)])

    pltpu.sync_copy(deg_loc, deg_out.at[tid])


_sc_scatter = pl.kernel(
    _sc_body,
    out_type=(
        jax.ShapeDtypeStruct((NC, N, D), jnp.float32),
        jax.ShapeDtypeStruct((NW, N_PAD), jnp.float32),
    ),
    mesh=plsc.VectorSubcoreMesh(core_axis_name="c", subcore_axis_name="s"),
    compiler_params=pltpu.CompilerParams(needs_layout_passes=False),
    scratch_types=[
        pltpu.VMEM((GB, EB), jnp.int32),
        pltpu.VMEM((GB, EB), jnp.int32),
        pltpu.VMEM((EB, D), jnp.float32),
        pltpu.VMEM((EB, D), jnp.float32),
        pltpu.VMEM((N_PAD,), jnp.float32),
        pltpu.SemaphoreType.DMA,
        pltpu.SemaphoreType.DMA,
        pltpu.VMEM_SHARED((N_PAD, D), jnp.float32),
    ],
)



_INV_SQRT2 = 0.7071067811865476


def _tc_body(f_ref, agg_ref, deg_ref, g_ref, bt_ref, ws_ref, wn_ref, b_ref,
             o_ref, acc_ref, st_ref):
    ph = pl.program_id(0)
    i = pl.program_id(1)

    @pl.when(ph == 0)
    def _():
        @pl.when(i == 0)
        def _():
            acc_ref[...] = jnp.zeros_like(acc_ref)

        x = f_ref[...]
        acc_ref[0:1, :] += jnp.sum(x, axis=0, keepdims=True)
        acc_ref[1:2, :] += jnp.sum(x * x, axis=0, keepdims=True)

        @pl.when(i == NBLK - 1)
        def _():
            mean = acc_ref[0:1, :] * (1.0 / N)
            var = acc_ref[1:2, :] * (1.0 / N) - mean * mean
            s = g_ref[...] * lax.rsqrt(var + EPS)
            st_ref[0:1, :] = s
            st_ref[1:2, :] = bt_ref[...] - mean * s

    @pl.when(ph == 1)
    def _():
        s = st_ref[0:1, :]
        t = st_ref[1:2, :]
        h = f_ref[...] * s + t
        a = agg_ref[0] + agg_ref[1]
        d = jnp.sum(deg_ref[...], axis=1, keepdims=True)
        hn = (a / jnp.maximum(d, 1.0)) * s + jnp.where(d > 0.0, t, 0.0)
        conv = (
            jnp.dot(h, ws_ref[...], preferred_element_type=jnp.float32)
            + jnp.dot(hn, wn_ref[...], preferred_element_type=jnp.float32)
            + b_ref[...]
            + h
        )
        o_ref[...] = 0.5 * conv * (1.0 + lax.erf(conv * _INV_SQRT2))


def _tc_call(features, agg2, degT, gamma, beta, W_self, W_neigh, b):
    return pl.pallas_call(
        _tc_body,
        grid=(2, NBLK),
        in_specs=[
            pl.BlockSpec((BLK, D), lambda ph, i: (i, 0)),
            pl.BlockSpec((NC, BLK, D), lambda ph, i: (0, ph * i, 0)),
            pl.BlockSpec((BLK, NW), lambda ph, i: (ph * i, 0)),
            pl.BlockSpec((1, D), lambda ph, i: (0, 0)),
            pl.BlockSpec((1, D), lambda ph, i: (0, 0)),
            pl.BlockSpec((D, D), lambda ph, i: (0, 0)),
            pl.BlockSpec((D, D), lambda ph, i: (0, 0)),
            pl.BlockSpec((1, D), lambda ph, i: (0, 0)),
        ],
        out_specs=pl.BlockSpec((BLK, D), lambda ph, i: (i, 0)),
        out_shape=jax.ShapeDtypeStruct((N, D), jnp.float32),
        scratch_shapes=[pltpu.VMEM((2, D), jnp.float32),
                        pltpu.VMEM((2, D), jnp.float32)],
    )(features, agg2, degT, gamma, beta, W_self, W_neigh, b)



def kernel(features, edge_index, W_self, W_neigh, b, gamma, beta):
    src = edge_index[0]
    dst = edge_index[1]
    pad = E_PAD - E
    pad_dst = N + (jnp.arange(pad, dtype=jnp.int32) % (N_PAD - N))
    pad_src = jnp.arange(pad, dtype=jnp.int32) * 37 % N
    src3 = jnp.concatenate([src, pad_src]).reshape(NW * KB, EB)
    dst3 = jnp.concatenate([dst, pad_dst]).reshape(NW * KB, EB)

    agg2, deg2 = _sc_scatter(features, src3, dst3)

    return _tc_call(features, agg2, deg2.T, gamma.reshape(1, D),
                    beta.reshape(1, D), W_self, W_neigh, b.reshape(1, D))

# --- scband reference (transcript-rebuilt; emitter-appended) ---
"""Pipeline reference for scband-graph-convolution-layer-2078764172294 (READ-ONLY COPY).

The authoritative reference and input builder live on the scoring server;
editing this copy changes nothing except your own understanding.
"""

import jax, jax.numpy as jnp
import numpy as np

N = 10000
E = 320000
D = 128
EPS = 1e-5


def setup_inputs(seed: int = 0) -> dict:
    key = jax.random.key(seed)
    k1, k2, k3, k4, k5 = jax.random.split(key, 5)
    features = jax.random.normal(k1, (N, D), dtype=jnp.float32)
    edge_index = jax.random.randint(k2, (2, E), 0, N, dtype=jnp.int32)
    W_self = jax.random.normal(k3, (D, D), dtype=jnp.float32) * 0.05
    W_neigh = jax.random.normal(k4, (D, D), dtype=jnp.float32) * 0.05
    b = jax.random.normal(k5, (D,), dtype=jnp.float32) * 0.05
    gamma = jnp.ones((D,), dtype=jnp.float32)
    beta = jnp.zeros((D,), dtype=jnp.float32)
    return {"features": features, "edge_index": edge_index, "W_self": W_self, "W_neigh": W_neigh, "b": b, "gamma": gamma, "beta": beta}


def reference(features, edge_index, W_self, W_neigh, b, gamma, beta):
    # BatchNorm1d (training-mode batch statistics, biased variance)
    mean = jnp.mean(features, axis=0)
    var = jnp.mean((features - mean) ** 2, axis=0)
    h = (features - mean) / jnp.sqrt(var + EPS) * gamma + beta
    # SAGEConv with mean aggregator: gather src feats, scatter-mean into dst
    src = edge_index[0]
    dst = edge_index[1]
    msg = jnp.take(h, src, axis=0)  # gather [E, D]
    agg = jax.ops.segment_sum(msg, dst, num_segments=N)  # scatter-add
    deg = jax.ops.segment_sum(jnp.ones((E,), dtype=jnp.float32), dst, num_segments=N)
    h_neigh = agg / jnp.maximum(deg, 1.0)[:, None]
    conv = h @ W_self + h_neigh @ W_neigh + b
    # skip connection
    out = conv + h
    # exact GELU (torch nn.GELU default uses erf)
    return jax.nn.gelu(out, approximate=False)

if __name__ == "__main__":
    import jax
    _d = setup_inputs()
    print(jax.jit(kernel)(*tuple(_d.values())))

</pallas_src>

<mosaic_0001>
#map = affine_map<(d0, d1) -> (0, 0)>
#map1 = affine_map<(d0, d1) -> (0, 0, 0)>
module attributes {stable_mosaic.version = 14 : i64} {
  func.func @_sc_body(%arg0: i32, %arg1: i32, %arg2: memref<10000x128xf32, #tpu.memory_space<hbm>>, %arg3: memref<2560x128xi32, #tpu.memory_space<hbm>>, %arg4: memref<2560x128xi32, #tpu.memory_space<hbm>>, %arg5: memref<2x10000x128xf32, #tpu.memory_space<hbm>>, %arg6: memref<32x10240xf32, #tpu.memory_space<hbm>>, %arg7: memref<16x128xi32, #tpu.memory_space<vmem>>, %arg8: memref<16x128xi32, #tpu.memory_space<vmem>>, %arg9: memref<128x128xf32, #tpu.memory_space<vmem>>, %arg10: memref<128x128xf32, #tpu.memory_space<vmem>>, %arg11: memref<10240xf32, #tpu.memory_space<vmem>>, %arg12: memref<!tpu.dma_semaphore, #tpu.memory_space<semaphore_mem>>, %arg13: memref<!tpu.dma_semaphore, #tpu.memory_space<semaphore_mem>>, %arg14: memref<10240x128xf32, #tpu.memory_space<vmem_shared>>) attributes {dimension_semantics = [#tpu.dimension_semantics<core_parallel>, #tpu.dimension_semantics<subcore_parallel>], iteration_bounds = array<i64: 2, 16>, scalar_prefetch = 0 : i64, scratch_operands = 8 : i64, tpu.core_type = #tpu.core_type<sc_vector_subcore>, window_params = [{transform_indices = #map}, {transform_indices = #map}, {transform_indices = #map}, {transform_indices = #map1}, {transform_indices = #map}]} {
    %mul3A = arith.constant 16 : i32
    %mul3A_0 = arith.muli %arg0, %mul3A : i32
    %add3A = arith.addi %mul3A_0, %arg1 : i32
    %broadcast_in_dim3A = arith.constant 0.000000e+00 : f32
    %broadcast_in_dim3A_1 = vector.broadcast %broadcast_in_dim3A : f32 to vector<16xf32>
    %scan3A = arith.constant 0 : i32
    %scan3A_2 = arith.constant 0 : i32
    %scan3A_3 = arith.constant 128 : i32
    %scan3A_4 = arith.addi %scan3A_2, %scan3A_3 : i32
    %scan3A_5 = arith.constant 1 : i32
    scf.for %scan3A_38 = %scan3A_2 to %scan3A_4 step %scan3A_5  : i32 {
      %swap3A = arith.index_cast %scan3A_38 : i32 to index
      %swap3A_39 = arith.constant 0 : index
      %swap3A_40 = tpu.vector_load %arg9[%swap3A, %swap3A_39] {strides = array<i32>} : memref<128x128xf32, #tpu.memory_space<vmem>>, vector<16xf32>,
      tpu.vector_store %arg9[%swap3A, %swap3A_39], %broadcast_in_dim3A_1 {strides = array<i32>} : memref<128x128xf32, #tpu.memory_space<vmem>>, vector<16xf32>,
      %swap3A_41 = arith.index_cast %scan3A_38 : i32 to index
      %swap3A_42 = arith.constant 16 : index
      %swap3A_43 = tpu.vector_load %arg9[%swap3A_41, %swap3A_42] {strides = array<i32>} : memref<128x128xf32, #tpu.memory_space<vmem>>, vector<16xf32>,
      tpu.vector_store %arg9[%swap3A_41, %swap3A_42], %broadcast_in_dim3A_1 {strides = array<i32>} : memref<128x128xf32, #tpu.memory_space<vmem>>, vector<16xf32>,
      %swap3A_44 = arith.index_cast %scan3A_38 : i32 to index
      %swap3A_45 = arith.constant 32 : index
      %swap3A_46 = tpu.vector_load %arg9[%swap3A_44, %swap3A_45] {strides = array<i32>} : memref<128x128xf32, #tpu.memory_space<vmem>>, vector<16xf32>,
      tpu.vector_store %arg9[%swap3A_44, %swap3A_45], %broadcast_in_dim3A_1 {strides = array<i32>} : memref<128x128xf32, #tpu.memory_space<vmem>>, vector<16xf32>,
      %swap3A_47 = arith.index_cast %scan3A_38 : i32 to index
      %swap3A_48 = arith.constant 48 : index
      %swap3A_49 = tpu.vector_load %arg9[%swap3A_47, %swap3A_48] {strides = array<i32>} : memref<128x128xf32, #tpu.memory_space<vmem>>, vector<16xf32>,
      tpu.vector_store %arg9[%swap3A_47, %swap3A_48], %broadcast_in_dim3A_1 {strides = array<i32>} : memref<128x128xf32, #tpu.memory_space<vmem>>, vector<16xf32>,
      %swap3A_50 = arith.index_cast %scan3A_38 : i32 to index
      %swap3A_51 = arith.constant 64 : index
      %swap3A_52 = tpu.vector_load %arg9[%swap3A_50, %swap3A_51] {strides = array<i32>} : memref<128x128xf32, #tpu.memory_space<vmem>>, vector<16xf32>,
      tpu.vector_store %arg9[%swap3A_50, %swap3A_51], %broadcast_in_dim3A_1 {strides = array<i32>} : memref<128x128xf32, #tpu.memory_space<vmem>>, vector<16xf32>,
      %swap3A_53 = arith.index_cast %scan3A_38 : i32 to index
      %swap3A_54 = arith.constant 80 : index
      %swap3A_55 = tpu.vector_load %arg9[%swap3A_53, %swap3A_54] {strides = array<i32>} : memref<128x128xf32, #tpu.memory_space<vmem>>, vector<16xf32>,
      tpu.vector_store %arg9[%swap3A_53, %swap3A_54], %broadcast_in_dim3A_1 {strides = array<i32>} : memref<128x128xf32, #tpu.memory_space<vmem>>, vector<16xf32>,
      %swap3A_56 = arith.index_cast %scan3A_38 : i32 to index
      %swap3A_57 = arith.constant 96 : index
      %swap3A_58 = tpu.vector_load %arg9[%swap3A_56, %swap3A_57] {strides = array<i32>} : memref<128x128xf32, #tpu.memory_space<vmem>>, vector<16xf32>,
      tpu.vector_store %arg9[%swap3A_56, %swap3A_57], %broadcast_in_dim3A_1 {strides = array<i32>} : memref<128x128xf32, #tpu.memory_space<vmem>>, vector<16xf32>,
      %swap3A_59 = arith.index_cast %scan3A_38 : i32 to index
      %swap3A_60 = arith.constant 112 : index
      %swap3A_61 = tpu.vector_load %arg9[%swap3A_59, %swap3A_60] {strides = array<i32>} : memref<128x128xf32, #tpu.memory_space<vmem>>, vector<16xf32>,
      tpu.vector_store %arg9[%swap3A_59, %swap3A_60], %broadcast_in_dim3A_1 {strides = array<i32>} : memref<128x128xf32, #tpu.memory_space<vmem>>, vector<16xf32>,
    }
    %scan3A_6 = arith.constant 128 : i32
    %scan3A_7 = arith.constant 0 : i32
    %scan3A_8 = arith.constant 0 : i32
    %scan3A_9 = arith.constant 640 : i32
    %scan3A_10 = arith.addi %scan3A_8, %scan3A_9 : i32
    %scan3A_11 = arith.constant 1 : i32
    scf.for %scan3A_38 = %scan3A_8 to %scan3A_10 step %scan3A_11  : i32 {
      %mul3A_39 = arith.constant 16 : i32
      %mul3A_40 = arith.muli %scan3A_38, %mul3A_39 : i32
      %swap3A = arith.index_cast %mul3A_40 : i32 to index
      %swap3A_41 = tpu.vector_load %arg11[%swap3A] {strides = array<i32>} : memref<10240xf32, #tpu.memory_space<vmem>>, vector<16xf32>,
      tpu.vector_store %arg11[%swap3A], %broadcast_in_dim3A_1 {strides = array<i32>} : memref<10240xf32, #tpu.memory_space<vmem>>, vector<16xf32>,
    }
    %scan3A_12 = arith.constant 640 : i32
    %mul3A_13 = arith.constant 640 : i32
    %mul3A_14 = arith.muli %arg1, %mul3A_13 : i32
    %add3A_15 = arith.constant 0 : i32
    %add3A_16 = arith.addi %mul3A_14, %add3A_15 : i32
    "tpu.region"() ({
      %run_scoped3A = tpu.sem_alloc : memref<!tpu.dma_semaphore, #tpu.memory_space<semaphore_mem>>
      %dma_start3A = arith.constant 0 : i32
      %dma_start3A_38 = tpu.memref_slice %arg14[%add3A_16, %dma_start3A] : memref<10240x128xf32, #tpu.memory_space<vmem_shared>> -> memref<128x128xf32, #tpu.memory_space<vmem_shared>>
      %dma_start3A_39 = arith.constant 0 : i32
      %dma_start3A_40 = tpu.memref_slice %arg14[%add3A_16, %dma_start3A_39] : memref<10240x128xf32, #tpu.memory_space<vmem_shared>> -> memref<128x128xf32, #tpu.memory_space<vmem_shared>>
      tpu.enqueue_dma source(%arg9 : memref<128x128xf32, #tpu.memory_space<vmem>>) target(%dma_start3A_40 : memref<128x128xf32, #tpu.memory_space<vmem_shared>>) target_semaphore(%run_scoped3A : memref<!tpu.dma_semaphore, #tpu.memory_space<semaphore_mem>>)
      %dma_wait3A = arith.constant 0 : i32
      %dma_wait3A_41 = tpu.memref_slice %arg14[%add3A_16, %dma_wait3A] : memref<10240x128xf32, #tpu.memory_space<vmem_shared>> -> memref<128x128xf32, #tpu.memory_space<vmem_shared>>
      %dma_wait3A_42 = arith.constant 0 : i32
      %dma_wait3A_43 = tpu.memref_slice %arg14[%add3A_16, %dma_wait3A_42] : memref<10240x128xf32, #tpu.memory_space<vmem_shared>> -> memref<128x128xf32, #tpu.memory_space<vmem_shared>>
      tpu.wait_dma2 semaphore(%run_scoped3A : memref<!tpu.dma_semaphore, #tpu.memory_space<semaphore_mem>>) src(%arg9 : memref<128x128xf32, #tpu.memory_space<vmem>>) dst(%dma_wait3A_43 : memref<128x128xf32, #tpu.memory_space<vmem_shared>>)
      tpu.yield
    }) : () -> ()
    %add3A_17 = arith.constant 128 : i32
    %add3A_18 = arith.addi %mul3A_14, %add3A_17 : i32
    "tpu.region"() ({
      %run_scoped3A = tpu.sem_alloc : memref<!tpu.dma_semaphore, #tpu.memory_space<semaphore_mem>>
      %dma_start3A = arith.constant 0 : i32
      %dma_start3A_38 = tpu.memref_slice %arg14[%add3A_18, %dma_start3A] : memref<10240x128xf32, #tpu.memory_space<vmem_shared>> -> memref<128x128xf32, #tpu.memory_space<vmem_shared>>
      %dma_start3A_39 = arith.constant 0 : i32
      %dma_start3A_40 = tpu.memref_slice %arg14[%add3A_18, %dma_start3A_39] : memref<10240x128xf32, #tpu.memory_space<vmem_shared>> -> memref<128x128xf32, #tpu.memory_space<vmem_shared>>
      tpu.enqueue_dma source(%arg9 : memref<128x128xf32, #tpu.memory_space<vmem>>) target(%dma_start3A_40 : memref<128x128xf32, #tpu.memory_space<vmem_shared>>) target_semaphore(%run_scoped3A : memref<!tpu.dma_semaphore, #tpu.memory_space<semaphore_mem>>)
      %dma_wait3A = arith.constant 0 : i32
      %dma_wait3A_41 = tpu.memref_slice %arg14[%add3A_18, %dma_wait3A] : memref<10240x128xf32, #tpu.memory_space<vmem_shared>> -> memref<128x128xf32, #tpu.memory_space<vmem_shared>>
      %dma_wait3A_42 = arith.constant 0 : i32
      %dma_wait3A_43 = tpu.memref_slice %arg14[%add3A_18, %dma_wait3A_42] : memref<10240x128xf32, #tpu.memory_space<vmem_shared>> -> memref<128x128xf32, #tpu.memory_space<vmem_shared>>
      tpu.wait_dma2 semaphore(%run_scoped3A : memref<!tpu.dma_semaphore, #tpu.memory_space<semaphore_mem>>) src(%arg9 : memref<128x128xf32, #tpu.memory_space<vmem>>) dst(%dma_wait3A_43 : memref<128x128xf32, #tpu.memory_space<vmem_shared>>)
      tpu.yield
    }) : () -> ()
    %add3A_19 = arith.constant 256 : i32
    %add3A_20 = arith.addi %mul3A_14, %add3A_19 : i32
    "tpu.region"() ({
      %run_scoped3A = tpu.sem_alloc : memref<!tpu.dma_semaphore, #tpu.memory_space<semaphore_mem>>
      %dma_start3A = arith.constant 0 : i32
      %dma_start3A_38 = tpu.memref_slice %arg14[%add3A_20, %dma_start3A] : memref<10240x128xf32, #tpu.memory_space<vmem_shared>> -> memref<128x128xf32, #tpu.memory_space<vmem_shared>>
      %dma_start3A_39 = arith.constant 0 : i32
      %dma_start3A_40 = tpu.memref_slice %arg14[%add3A_20, %dma_start3A_39] : memref<10240x128xf32, #tpu.memory_space<vmem_shared>> -> memref<128x128xf32, #tpu.memory_space<vmem_shared>>
      tpu.enqueue_dma source(%arg9 : memref<128x128xf32, #tpu.memory_space<vmem>>) target(%dma_start3A_40 : memref<128x128xf32, #tpu.memory_space<vmem_shared>>) target_semaphore(%run_scoped3A : memref<!tpu.dma_semaphore, #tpu.memory_space<semaphore_mem>>)
      %dma_wait3A = arith.constant 0 : i32
      %dma_wait3A_41 = tpu.memref_slice %arg14[%add3A_20, %dma_wait3A] : memref<10240x128xf32, #tpu.memory_space<vmem_shared>> -> memref<128x128xf32, #tpu.memory_space<vmem_shared>>
      %dma_wait3A_42 = arith.constant 0 : i32
      %dma_wait3A_43 = tpu.memref_slice %arg14[%add3A_20, %dma_wait3A_42] : memref<10240x128xf32, #tpu.memory_space<vmem_shared>> -> memref<128x128xf32, #tpu.memory_space<vmem_shared>>
      tpu.wait_dma2 semaphore(%run_scoped3A : memref<!tpu.dma_semaphore, #tpu.memory_space<semaphore_mem>>) src(%arg9 : memref<128x128xf32, #tpu.memory_space<vmem>>) dst(%dma_wait3A_43 : memref<128x128xf32, #tpu.memory_space<vmem_shared>>)
      tpu.yield
    }) : () -> ()
    %add3A_21 = arith.constant 384 : i32
    %add3A_22 = arith.addi %mul3A_14, %add3A_21 : i32
    "tpu.region"() ({
      %run_scoped3A = tpu.sem_alloc : memref<!tpu.dma_semaphore, #tpu.memory_space<semaphore_mem>>
      %dma_start3A = arith.constant 0 : i32
      %dma_start3A_38 = tpu.memref_slice %arg14[%add3A_22, %dma_start3A] : memref<10240x128xf32, #tpu.memory_space<vmem_shared>> -> memref<128x128xf32, #tpu.memory_space<vmem_shared>>
      %dma_start3A_39 = arith.constant 0 : i32
      %dma_start3A_40 = tpu.memref_slice %arg14[%add3A_22, %dma_start3A_39] : memref<10240x128xf32, #tpu.memory_space<vmem_shared>> -> memref<128x128xf32, #tpu.memory_space<vmem_shared>>
      tpu.enqueue_dma source(%arg9 : memref<128x128xf32, #tpu.memory_space<vmem>>) target(%dma_start3A_40 : memref<128x128xf32, #tpu.memory_space<vmem_shared>>) target_semaphore(%run_scoped3A : memref<!tpu.dma_semaphore, #tpu.memory_space<semaphore_mem>>)
      %dma_wait3A = arith.constant 0 : i32
      %dma_wait3A_41 = tpu.memref_slice %arg14[%add3A_22, %dma_wait3A] : memref<10240x128xf32, #tpu.memory_space<vmem_shared>> -> memref<128x128xf32, #tpu.memory_space<vmem_shared>>
      %dma_wait3A_42 = arith.constant 0 : i32
      %dma_wait3A_43 = tpu.memref_slice %arg14[%add3A_22, %dma_wait3A_42] : memref<10240x128xf32, #tpu.memory_space<vmem_shared>> -> memref<128x128xf32, #tpu.memory_space<vmem_shared>>
      tpu.wait_dma2 semaphore(%run_scoped3A : memref<!tpu.dma_semaphore, #tpu.memory_space<semaphore_mem>>) src(%arg9 : memref<128x128xf32, #tpu.memory_space<vmem>>) dst(%dma_wait3A_43 : memref<128x128xf32, #tpu.memory_space<vmem_shared>>)
      tpu.yield
    }) : () -> ()
    %add3A_23 = arith.constant 512 : i32
    %add3A_24 = arith.addi %mul3A_14, %add3A_23 : i32
    "tpu.region"() ({
      %run_scoped3A = tpu.sem_alloc : memref<!tpu.dma_semaphore, #tpu.memory_space<semaphore_mem>>
      %dma_start3A = arith.constant 0 : i32
      %dma_start3A_38 = tpu.memref_slice %arg14[%add3A_24, %dma_start3A] : memref<10240x128xf32, #tpu.memory_space<vmem_shared>> -> memref<128x128xf32, #tpu.memory_space<vmem_shared>>
      %dma_start3A_39 = arith.constant 0 : i32
      %dma_start3A_40 = tpu.memref_slice %arg14[%add3A_24, %dma_start3A_39] : memref<10240x128xf32, #tpu.memory_space<vmem_shared>> -> memref<128x128xf32, #tpu.memory_space<vmem_shared>>
      tpu.enqueue_dma source(%arg9 : memref<128x128xf32, #tpu.memory_space<vmem>>) target(%dma_start3A_40 : memref<128x128xf32, #tpu.memory_space<vmem_shared>>) target_semaphore(%run_scoped3A : memref<!tpu.dma_semaphore, #tpu.memory_space<semaphore_mem>>)
      %dma_wait3A = arith.constant 0 : i32
      %dma_wait3A_41 = tpu.memref_slice %arg14[%add3A_24, %dma_wait3A] : memref<10240x128xf32, #tpu.memory_space<vmem_shared>> -> memref<128x128xf32, #tpu.memory_space<vmem_shared>>
      %dma_wait3A_42 = arith.constant 0 : i32
      %dma_wait3A_43 = tpu.memref_slice %arg14[%add3A_24, %dma_wait3A_42] : memref<10240x128xf32, #tpu.memory_space<vmem_shared>> -> memref<128x128xf32, #tpu.memory_space<vmem_shared>>
      tpu.wait_dma2 semaphore(%run_scoped3A : memref<!tpu.dma_semaphore, #tpu.memory_space<semaphore_mem>>) src(%arg9 : memref<128x128xf32, #tpu.memory_space<vmem>>) dst(%dma_wait3A_43 : memref<128x128xf32, #tpu.memory_space<vmem_shared>>)
      tpu.yield
    }) : () -> ()
    %barrier3A = arith.constant 0 : index
    tpu.barrier barrier_id(%barrier3A)
    %scan3A_25 = arith.constant 0 : i32
    %scan3A_26 = arith.constant 0 : i32
    %scan3A_27 = arith.constant 5 : i32
    %scan3A_28 = arith.addi %scan3A_26, %scan3A_27 : i32
    %scan3A_29 = arith.constant 1 : i32
    scf.for %scan3A_38 = %scan3A_26 to %scan3A_28 step %scan3A_29  : i32 {
      %mul3A_39 = arith.constant 80 : i32
      %mul3A_40 = arith.muli %add3A, %mul3A_39 : i32
      %mul3A_41 = arith.constant 16 : i32
      %mul3A_42 = arith.muli %scan3A_38, %mul3A_41 : i32
      %add3A_43 = arith.addi %mul3A_40, %mul3A_42 : i32
      %iota3A = tpu.iota {dimensions = array<i32: 0>} : vector<16xi32>
      %add3A_44 = vector.broadcast %add3A_43 : i32 to vector<16xi32>
      %add3A_45 = arith.addi %add3A_44, %iota3A : vector<16xi32>
      "tpu.region"() ({
        %run_scoped3A = tpu.sem_alloc : memref<!tpu.dma_semaphore, #tpu.memory_space<semaphore_mem>>
        %dma_start3A_58 = arith.constant 0 : i32
        %dma_start3A_59 = arith.constant 0 : i32
        %dma_start3A_60 = tpu.memref_slice %arg3[%dma_start3A_58, %dma_start3A_59] : memref<2560x128xi32, #tpu.memory_space<hbm>> -> memref<2560x128xi32, #tpu.memory_space<hbm>>
        tpu.enqueue_indirect_dma source(%dma_start3A_60 : memref<2560x128xi32, #tpu.memory_space<hbm>>) target(%arg7 : memref<16x128xi32, #tpu.memory_space<vmem>>) offsets(%add3A_45 : vector<16xi32>) semaphore(%run_scoped3A : memref<!tpu.dma_semaphore, #tpu.memory_space<semaphore_mem>>)
        %dma_wait3A = arith.constant 0 : i32
        %dma_wait3A_61 = arith.constant 0 : i32
        %dma_wait3A_62 = tpu.memref_slice %arg3[%dma_wait3A, %dma_wait3A_61] : memref<2560x128xi32, #tpu.memory_space<hbm>> -> memref<2560x128xi32, #tpu.memory_space<hbm>>
        tpu.wait_indirect_dma semaphore(%run_scoped3A : memref<!tpu.dma_semaphore, #tpu.memory_space<semaphore_mem>>) src(%dma_wait3A_62 : memref<2560x128xi32, #tpu.memory_space<hbm>>) dst(%arg7 : memref<16x128xi32, #tpu.memory_space<vmem>>)
        tpu.yield
      }) : () -> ()
      "tpu.region"() ({
        %run_scoped3A = tpu.sem_alloc : memref<!tpu.dma_semaphore, #tpu.memory_space<semaphore_mem>>
        %dma_start3A_58 = arith.constant 0 : i32
        %dma_start3A_59 = arith.constant 0 : i32
        %dma_start3A_60 = tpu.memref_slice %arg4[%dma_start3A_58, %dma_start3A_59] : memref<2560x128xi32, #tpu.memory_space<hbm>> -> memref<2560x128xi32, #tpu.memory_space<hbm>>
        tpu.enqueue_indirect_dma source(%dma_start3A_60 : memref<2560x128xi32, #tpu.memory_space<hbm>>) target(%arg8 : memref<16x128xi32, #tpu.memory_space<vmem>>) offsets(%add3A_45 : vector<16xi32>) semaphore(%run_scoped3A : memref<!tpu.dma_semaphore, #tpu.memory_space<semaphore_mem>>)
        %dma_wait3A = arith.constant 0 : i32
        %dma_wait3A_61 = arith.constant 0 : i32
        %dma_wait3A_62 = tpu.memref_slice %arg4[%dma_wait3A, %dma_wait3A_61] : memref<2560x128xi32, #tpu.memory_space<hbm>> -> memref<2560x128xi32, #tpu.memory_space<hbm>>
        tpu.wait_indirect_dma semaphore(%run_scoped3A : memref<!tpu.dma_semaphore, #tpu.memory_space<semaphore_mem>>) src(%dma_wait3A_62 : memref<2560x128xi32, #tpu.memory_space<hbm>>) dst(%arg8 : memref<16x128xi32, #tpu.memory_space<vmem>>)
        tpu.yield
      }) : () -> ()
      %dma_start3A = arith.constant 0 : i32
      %dma_start3A_46 = arith.constant 0 : i32
      %dma_start3A_47 = tpu.memref_slice %arg7[%dma_start3A, %dma_start3A_46] : memref<16x128xi32, #tpu.memory_space<vmem>> -> memref<1x128xi32, #tpu.memory_space<vmem>>
      %dma_start3A_48 = tpu.memref_squeeze %dma_start3A_47 : memref<1x128xi32, #tpu.memory_space<vmem>> -> memref<128xi32, #tpu.memory_space<vmem>>
      %dma_start3A_49 = arith.constant 0 : i32
      %dma_start3A_50 = arith.constant 0 : i32
      %dma_start3A_51 = tpu.memref_slice %arg2[%dma_start3A_49, %dma_start3A_50] : memref<10000x128xf32, #tpu.memory_space<hbm>> -> memref<10000x128xf32, #tpu.memory_space<hbm>>
      tpu.enqueue_indirect_dma source(%dma_start3A_51 : memref<10000x128xf32, #tpu.memory_space<hbm>>) target(%arg9 : memref<128x128xf32, #tpu.memory_space<vmem>>) offsets(%dma_start3A_48 : memref<128xi32, #tpu.memory_space<vmem>>) semaphore(%arg12 : memref<!tpu.dma_semaphore, #tpu.memory_space<semaphore_mem>>)
      %scan3A_52 = arith.constant 0 : i32
      %scan3A_53 = arith.constant 0 : i32
      %scan3A_54 = arith.constant 8 : i32
      %scan3A_55 = arith.addi %scan3A_53, %scan3A_54 : i32
      %scan3A_56 = arith.constant 1 : i32
      scf.for %scan3A_58 = %scan3A_53 to %scan3A_55 step %scan3A_56  : i32 {
        %mul3A_59 = arith.constant 2 : i32
        %mul3A_60 = arith.muli %mul3A_59, %scan3A_58 : i32
        %add3A_61 = arith.constant 1 : i32
        %add3A_62 = arith.addi %mul3A_60, %add3A_61 : i32
        %dma_start3A_63 = arith.constant 0 : i32
        %dma_start3A_64 = tpu.memref_slice %arg7[%add3A_62, %dma_start3A_63] : memref<16x128xi32, #tpu.memory_space<vmem>> -> memref<1x128xi32, #tpu.memory_space<vmem>>
        %dma_start3A_65 = tpu.memref_squeeze %dma_start3A_64 : memref<1x128xi32, #tpu.memory_space<vmem>> -> memref<128xi32, #tpu.memory_space<vmem>>
        %dma_start3A_66 = arith.constant 0 : i32
        %dma_start3A_67 = arith.constant 0 : i32
        %dma_start3A_68 = tpu.memref_slice %arg2[%dma_start3A_66, %dma_start3A_67] : memref<10000x128xf32, #tpu.memory_space<hbm>> -> memref<10000x128xf32, #tpu.memory_space<hbm>>
        tpu.enqueue_indirect_dma source(%dma_start3A_68 : memref<10000x128xf32, #tpu.memory_space<hbm>>) target(%arg10 : memref<128x128xf32, #tpu.memory_space<vmem>>) offsets(%dma_start3A_65 : memref<128xi32, #tpu.memory_space<vmem>>) semaphore(%arg13 : memref<!tpu.dma_semaphore, #tpu.memory_space<semaphore_mem>>)
        %get3A = arith.index_cast %mul3A_60 : i32 to index
        %get3A_69 = arith.constant 0 : index
        %get3A_70 = tpu.vector_load %arg8[%get3A, %get3A_69] {strides = array<i32>} : memref<16x128xi32, #tpu.memory_space<vmem>>, vector<16xi32>,
        %broadcast_in_dim3A_71 = arith.constant true
        %broadcast_in_dim3A_72 = vector.broadcast %broadcast_in_dim3A_71 : i1 to vector<16xi1>
        %unique3A, %unique3A_73 = tpu.scan_count mask(%broadcast_in_dim3A_72 : vector<16xi1>) value(%get3A_70 : vector<16xi32>) : vector<16xi1>, vector<16xi32>
        %convert_element_type3A_74 = arith.sitofp %unique3A_73 : vector<16xi32> to vector<16xf32>
        tpu.vector_store_idx %arg11[%get3A_70], %convert_element_type3A_74 masked %unique3A {add = true} : memref<10240xf32, #tpu.memory_space<vmem>>[vector<16xi32>], vector<16xf32>, vector<16xi1>
        %get3A_75 = arith.index_cast %mul3A_60 : i32 to index
        %get3A_76 = arith.constant 16 : index
        %get3A_77 = tpu.vector_load %arg8[%get3A_75, %get3A_76] {strides = array<i32>} : memref<16x128xi32, #tpu.memory_space<vmem>>, vector<16xi32>,
        %broadcast_in_dim3A_78 = arith.constant true
        %broadcast_in_dim3A_79 = vector.broadcast %broadcast_in_dim3A_78 : i1 to vector<16xi1>
        %unique3A_80, %unique3A_81 = tpu.scan_count mask(%broadcast_in_dim3A_79 : vector<16xi1>) value(%get3A_77 : vector<16xi32>) : vector<16xi1>, vector<16xi32>
        %convert_element_type3A_82 = arith.sitofp %unique3A_81 : vector<16xi32> to vector<16xf32>
        tpu.vector_store_idx %arg11[%get3A_77], %convert_element_type3A_82 masked %unique3A_80 {add = true} : memref<10240xf32, #tpu.memory_space<vmem>>[vector<16xi32>], vector<16xf32>, vector<16xi1>
        %get3A_83 = arith.index_cast %mul3A_60 : i32 to index
        %get3A_84 = arith.constant 32 : index
        %get3A_85 = tpu.vector_load %arg8[%get3A_83, %get3A_84] {strides = array<i32>} : memref<16x128xi32, #tpu.memory_space<vmem>>, vector<16xi32>,
        %broadcast_in_dim3A_86 = arith.constant true
        %broadcast_in_dim3A_87 = vector.broadcast %broadcast_in_dim3A_86 : i1 to vector<16xi1>
        %unique3A_88, %unique3A_89 = tpu.scan_count mask(%broadcast_in_dim3A_87 : vector<16xi1>) value(%get3A_85 : vector<16xi32>) : vector<16xi1>, vector<16xi32>
        %convert_element_type3A_90 = arith.sitofp %unique3A_89 : vector<16xi32> to vector<16xf32>
        tpu.vector_store_idx %arg11[%get3A_85], %convert_element_type3A_90 masked %unique3A_88 {add = true} : memref<10240xf32, #tpu.memory_space<vmem>>[vector<16xi32>], vector<16xf32>, vector<16xi1>
        %get3A_91 = arith.index_cast %mul3A_60 : i32 to index
        %get3A_92 = arith.constant 48 : index
        %get3A_93 = tpu.vector_load %arg8[%get3A_91, %get3A_92] {strides = array<i32>} : memref<16x128xi32, #tpu.memory_space<vmem>>, vector<16xi32>,
        %broadcast_in_dim3A_94 = arith.constant true
        %broadcast_in_dim3A_95 = vector.broadcast %broadcast_in_dim3A_94 : i1 to vector<16xi1>
        %unique3A_96, %unique3A_97 = tpu.scan_count mask(%broadcast_in_dim3A_95 : vector<16xi1>) value(%get3A_93 : vector<16xi32>) : vector<16xi1>, vector<16xi32>
        %convert_element_type3A_98 = arith.sitofp %unique3A_97 : vector<16xi32> to vector<16xf32>
        tpu.vector_store_idx %arg11[%get3A_93], %convert_element_type3A_98 masked %unique3A_96 {add = true} : memref<10240xf32, #tpu.memory_space<vmem>>[vector<16xi32>], vector<16xf32>, vector<16xi1>
        %get3A_99 = arith.index_cast %mul3A_60 : i32 to index
        %get3A_100 = arith.constant 64 : index
        %get3A_101 = tpu.vector_load %arg8[%get3A_99, %get3A_100] {strides = array<i32>} : memref<16x128xi32, #tpu.memory_space<vmem>>, vector<16xi32>,
        %broadcast_in_dim3A_102 = arith.constant true
        %broadcast_in_dim3A_103 = vector.broadcast %broadcast_in_dim3A_102 : i1 to vector<16xi1>
        %unique3A_104, %unique3A_105 = tpu.scan_count mask(%broadcast_in_dim3A_103 : vector<16xi1>) value(%get3A_101 : vector<16xi32>) : vector<16xi1>, vector<16xi32>
        %convert_element_type3A_106 = arith.sitofp %unique3A_105 : vector<16xi32> to vector<16xf32>
        tpu.vector_store_idx %arg11[%get3A_101], %convert_element_type3A_106 masked %unique3A_104 {add = true} : memref<10240xf32, #tpu.memory_space<vmem>>[vector<16xi32>], vector<16xf32>, vector<16xi1>
        %get3A_107 = arith.index_cast %mul3A_60 : i32 to index
        %get3A_108 = arith.constant 80 : index
        %get3A_109 = tpu.vector_load %arg8[%get3A_107, %get3A_108] {strides = array<i32>} : memref<16x128xi32, #tpu.memory_space<vmem>>, vector<16xi32>,
        %broadcast_in_dim3A_110 = arith.constant true
        %broadcast_in_dim3A_111 = vector.broadcast %broadcast_in_dim3A_110 : i1 to vector<16xi1>
        %unique3A_112, %unique3A_113 = tpu.scan_count mask(%broadcast_in_dim3A_111 : vector<16xi1>) value(%get3A_109 : vector<16xi32>) : vector<16xi1>, vector<16xi32>
        %convert_element_type3A_114 = arith.sitofp %unique3A_113 : vector<16xi32> to vector<16xf32>
        tpu.vector_store_idx %arg11[%get3A_109], %convert_element_type3A_114 masked %unique3A_112 {add = true} : memref<10240xf32, #tpu.memory_space<vmem>>[vector<16xi32>], vector<16xf32>, vector<16xi1>
        %get3A_115 = arith.index_cast %mul3A_60 : i32 to index
        %get3A_116 = arith.constant 96 : index
        %get3A_117 = tpu.vector_load %arg8[%get3A_115, %get3A_116] {strides = array<i32>} : memref<16x128xi32, #tpu.memory_space<vmem>>, vector<16xi32>,
        %broadcast_in_dim3A_118 = arith.constant true
        %broadcast_in_dim3A_119 = vector.broadcast %broadcast_in_dim3A_118 : i1 to vector<16xi1>
        %unique3A_120, %unique3A_121 = tpu.scan_count mask(%broadcast_in_dim3A_119 : vector<16xi1>) value(%get3A_117 : vector<16xi32>) : vector<16xi1>, vector<16xi32>
        %convert_element_type3A_122 = arith.sitofp %unique3A_121 : vector<16xi32> to vector<16xf32>
        tpu.vector_store_idx %arg11[%get3A_117], %convert_element_type3A_122 masked %unique3A_120 {add = true} : memref<10240xf32, #tpu.memory_space<vmem>>[vector<16xi32>], vector<16xf32>, vector<16xi1>
        %get3A_123 = arith.index_cast %mul3A_60 : i32 to index
        %get3A_124 = arith.constant 112 : index
        %get3A_125 = tpu.vector_load %arg8[%get3A_123, %get3A_124] {strides = array<i32>} : memref<16x128xi32, #tpu.memory_space<vmem>>, vector<16xi32>,
        %broadcast_in_dim3A_126 = arith.constant true
        %broadcast_in_dim3A_127 = vector.broadcast %broadcast_in_dim3A_126 : i1 to vector<16xi1>
        %unique3A_128, %unique3A_129 = tpu.scan_count mask(%broadcast_in_dim3A_127 : vector<16xi1>) value(%get3A_125 : vector<16xi32>) : vector<16xi1>, vector<16xi32>
        %convert_element_type3A_130 = arith.sitofp %unique3A_129 : vector<16xi32> to vector<16xf32>
        tpu.vector_store_idx %arg11[%get3A_125], %convert_element_type3A_130 masked %unique3A_128 {add = true} : memref<10240xf32, #tpu.memory_space<vmem>>[vector<16xi32>], vector<16xf32>, vector<16xi1>
        %dma_wait3A = arith.constant 0 : i32
        %dma_wait3A_131 = tpu.memref_slice %arg7[%mul3A_60, %dma_wait3A] : memref<16x128xi32, #tpu.memory_space<vmem>> -> memref<1x128xi32, #tpu.memory_space<vmem>>
        %dma_wait3A_132 = tpu.memref_squeeze %dma_wait3A_131 : memref<1x128xi32, #tpu.memory_space<vmem>> -> memref<128xi32, #tpu.memory_space<vmem>>
        %dma_wait3A_133 = arith.constant 0 : i32
        %dma_wait3A_134 = arith.constant 0 : i32
        %dma_wait3A_135 = tpu.memref_slice %arg2[%dma_wait3A_133, %dma_wait3A_134] : memref<10000x128xf32, #tpu.memory_space<hbm>> -> memref<10000x128xf32, #tpu.memory_space<hbm>>
        tpu.wait_indirect_dma semaphore(%arg12 : memref<!tpu.dma_semaphore, #tpu.memory_space<semaphore_mem>>) src(%dma_wait3A_135 : memref<10000x128xf32, #tpu.memory_space<hbm>>) dst(%arg9 : memref<128x128xf32, #tpu.memory_space<vmem>>)
        "tpu.region"() ({
          %run_scoped3A = tpu.sem_alloc : memref<!tpu.dma_semaphore, #tpu.memory_space<semaphore_mem>>
          %dma_start3A_219 = arith.constant 0 : i32
          %dma_start3A_220 = tpu.memref_slice %arg8[%mul3A_60, %dma_start3A_219] : memref<16x128xi32, #tpu.memory_space<vmem>> -> memref<1x128xi32, #tpu.memory_space<vmem>>
          %dma_start3A_221 = tpu.memref_squeeze %dma_start3A_220 : memref<1x128xi32, #tpu.memory_space<vmem>> -> memref<128xi32, #tpu.memory_space<vmem>>
          %dma_start3A_222 = arith.constant 0 : i32
          %dma_start3A_223 = arith.constant 0 : i32
          %dma_start3A_224 = tpu.memref_slice %arg14[%dma_start3A_222, %dma_start3A_223] : memref<10240x128xf32, #tpu.memory_space<vmem_shared>> -> memref<10240x128xf32, #tpu.memory_space<vmem_shared>>
          tpu.enqueue_indirect_dma source(%arg9 : memref<128x128xf32, #tpu.memory_space<vmem>>) target(%dma_start3A_224 : memref<10240x128xf32, #tpu.memory_space<vmem_shared>>) offsets(%dma_start3A_221 : memref<128xi32, #tpu.memory_space<vmem>>) semaphore(%run_scoped3A : memref<!tpu.dma_semaphore, #tpu.memory_space<semaphore_mem>>) {add = true}
          %dma_wait3A_225 = arith.constant 0 : i32
          %dma_wait3A_226 = tpu.memref_slice %arg8[%mul3A_60, %dma_wait3A_225] : memref<16x128xi32, #tpu.memory_space<vmem>> -> memref<1x128xi32, #tpu.memory_space<vmem>>
          %dma_wait3A_227 = tpu.memref_squeeze %dma_wait3A_226 : memref<1x128xi32, #tpu.memory_space<vmem>> -> memref<128xi32, #tpu.memory_space<vmem>>
          %dma_wait3A_228 = arith.constant 0 : i32
          %dma_wait3A_229 = arith.constant 0 : i32
          %dma_wait3A_230 = tpu.memref_slice %arg14[%dma_wait3A_228, %dma_wait3A_229] : memref<10240x128xf32, #tpu.memory_space<vmem_shared>> -> memref<10240x128xf32, #tpu.memory_space<vmem_shared>>
          tpu.wait_indirect_dma semaphore(%run_scoped3A : memref<!tpu.dma_semaphore, #tpu.memory_space<semaphore_mem>>) src(%arg9 : memref<128x128xf32, #tpu.memory_space<vmem>>) dst(%dma_wait3A_230 : memref<10240x128xf32, #tpu.memory_space<vmem_shared>>)
          tpu.yield
        }) : () -> ()
        %add3A_136 = arith.constant 1 : i32
        %add3A_137 = arith.addi %scan3A_58, %add3A_136 : i32
        %lt3A_138 = arith.constant 8 : i32
        %lt3A_139 = arith.cmpi slt, %add3A_137, %lt3A_138 : i32
        %convert_element_type3A_140 = arith.extui %lt3A_139 : i1 to i32
        %cond3A_141 = arith.constant 0 : i32
        %cond3A_142 = arith.cmpi ne, %convert_element_type3A_140, %cond3A_141 : i32
        scf.if %cond3A_142 {
          %add3A_219 = arith.constant 2 : i32
          %add3A_220 = arith.addi %mul3A_60, %add3A_219 : i32
          %dma_start3A_221 = arith.constant 0 : i32
          %dma_start3A_222 = tpu.memref_slice %arg7[%add3A_220, %dma_start3A_221] : memref<16x128xi32, #tpu.memory_space<vmem>> -> memref<1x128xi32, #tpu.memory_space<vmem>>
          %dma_start3A_223 = tpu.memref_squeeze %dma_start3A_222 : memref<1x128xi32, #tpu.memory_space<vmem>> -> memref<128xi32, #tpu.memory_space<vmem>>
          %dma_start3A_224 = arith.constant 0 : i32
          %dma_start3A_225 = arith.constant 0 : i32
          %dma_start3A_226 = tpu.memref_slice %arg2[%dma_start3A_224, %dma_start3A_225] : memref<10000x128xf32, #tpu.memory_space<hbm>> -> memref<10000x128xf32, #tpu.memory_space<hbm>>
          tpu.enqueue_indirect_dma source(%dma_start3A_226 : memref<10000x128xf32, #tpu.memory_space<hbm>>) target(%arg9 : memref<128x128xf32, #tpu.memory_space<vmem>>) offsets(%dma_start3A_223 : memref<128xi32, #tpu.memory_space<vmem>>) semaphore(%arg12 : memref<!tpu.dma_semaphore, #tpu.memory_space<semaphore_mem>>)
        } else {
        }
        %add3A_143 = arith.constant 1 : i32
        %add3A_144 = arith.addi %mul3A_60, %add3A_143 : i32
        %get3A_145 = arith.index_cast %add3A_144 : i32 to index
        %get3A_146 = arith.constant 0 : index
        %get3A_147 = tpu.vector_load %arg8[%get3A_145, %get3A_146] {strides = array<i32>} : memref<16x128xi32, #tpu.memory_space<vmem>>, vector<16xi32>,
        %broadcast_in_dim3A_148 = arith.constant true
        %broadcast_in_dim3A_149 = vector.broadcast %broadcast_in_dim3A_148 : i1 to vector<16xi1>
        %unique3A_150, %unique3A_151 = tpu.scan_count mask(%broadcast_in_dim3A_149 : vector<16xi1>) value(%get3A_147 : vector<16xi32>) : vector<16xi1>, vector<16xi32>
        %convert_element_type3A_152 = arith.sitofp %unique3A_151 : vector<16xi32> to vector<16xf32>
        tpu.vector_store_idx %arg11[%get3A_147], %convert_element_type3A_152 masked %unique3A_150 {add = true} : memref<10240xf32, #tpu.memory_space<vmem>>[vector<16xi32>], vector<16xf32>, vector<16xi1>
        %get3A_153 = arith.index_cast %add3A_144 : i32 to index
        %get3A_154 = arith.constant 16 : index
        %get3A_155 = tpu.vector_load %arg8[%get3A_153, %get3A_154] {strides = array<i32>} : memref<16x128xi32, #tpu.memory_space<vmem>>, vector<16xi32>,
        %broadcast_in_dim3A_156 = arith.constant true
        %broadcast_in_dim3A_157 = vector.broadcast %broadcast_in_dim3A_156 : i1 to vector<16xi1>
        %unique3A_158, %unique3A_159 = tpu.scan_count mask(%broadcast_in_dim3A_157 : vector<16xi1>) value(%get3A_155 : vector<16xi32>) : vector<16xi1>, vector<16xi32>
        %convert_element_type3A_160 = arith.sitofp %unique3A_159 : vector<16xi32> to vector<16xf32>
        tpu.vector_store_idx %arg11[%get3A_155], %convert_element_type3A_160 masked %unique3A_158 {add = true} : memref<10240xf32, #tpu.memory_space<vmem>>[vector<16xi32>], vector<16xf32>, vector<16xi1>
        %get3A_161 = arith.index_cast %add3A_144 : i32 to index
        %get3A_162 = arith.constant 32 : index
        %get3A_163 = tpu.vector_load %arg8[%get3A_161, %get3A_162] {strides = array<i32>} : memref<16x128xi32, #tpu.memory_space<vmem>>, vector<16xi32>,
        %broadcast_in_dim3A_164 = arith.constant true
        %broadcast_in_dim3A_165 = vector.broadcast %broadcast_in_dim3A_164 : i1 to vector<16xi1>
        %unique3A_166, %unique3A_167 = tpu.scan_count mask(%broadcast_in_dim3A_165 : vector<16xi1>) value(%get3A_163 : vector<16xi32>) : vector<16xi1>, vector<16xi32>
        %convert_element_type3A_168 = arith.sitofp %unique3A_167 : vector<16xi32> to vector<16xf32>
        tpu.vector_store_idx %arg11[%get3A_163], %convert_element_type3A_168 masked %unique3A_166 {add = true} : memref<10240xf32, #tpu.memory_space<vmem>>[vector<16xi32>], vector<16xf32>, vector<16xi1>
        %get3A_169 = arith.index_cast %add3A_144 : i32 to index
        %get3A_170 = arith.constant 48 : index
        %get3A_171 = tpu.vector_load %arg8[%get3A_169, %get3A_170] {strides = array<i32>} : memref<16x128xi32, #tpu.memory_space<vmem>>, vector<16xi32>,
        %broadcast_in_dim3A_172 = arith.constant true
        %broadcast_in_dim3A_173 = vector.broadcast %broadcast_in_dim3A_172 : i1 to vector<16xi1>
        %unique3A_174, %unique3A_175 = tpu.scan_count mask(%broadcast_in_dim3A_173 : vector<16xi1>) value(%get3A_171 : vector<16xi32>) : vector<16xi1>, vector<16xi32>
        %convert_element_type3A_176 = arith.sitofp %unique3A_175 : vector<16xi32> to vector<16xf32>
        tpu.vector_store_idx %arg11[%get3A_171], %convert_element_type3A_176 masked %unique3A_174 {add = true} : memref<10240xf32, #tpu.memory_space<vmem>>[vector<16xi32>], vector<16xf32>, vector<16xi1>
        %get3A_177 = arith.index_cast %add3A_144 : i32 to index
        %get3A_178 = arith.constant 64 : index
        %get3A_179 = tpu.vector_load %arg8[%get3A_177, %get3A_178] {strides = array<i32>} : memref<16x128xi32, #tpu.memory_space<vmem>>, vector<16xi32>,
        %broadcast_in_dim3A_180 = arith.constant true
        %broadcast_in_dim3A_181 = vector.broadcast %broadcast_in_dim3A_180 : i1 to vector<16xi1>
        %unique3A_182, %unique3A_183 = tpu.scan_count mask(%broadcast_in_dim3A_181 : vector<16xi1>) value(%get3A_179 : vector<16xi32>) : vector<16xi1>, vector<16xi32>
        %convert_element_type3A_184 = arith.sitofp %unique3A_183 : vector<16xi32> to vector<16xf32>
        tpu.vector_store_idx %arg11[%get3A_179], %convert_element_type3A_184 masked %unique3A_182 {add = true} : memref<10240xf32, #tpu.memory_space<vmem>>[vector<16xi32>], vector<16xf32>, vector<16xi1>
        %get3A_185 = arith.index_cast %add3A_144 : i32 to index
        %get3A_186 = arith.constant 80 : index
        %get3A_187 = tpu.vector_load %arg8[%get3A_185, %get3A_186] {strides = array<i32>} : memref<16x128xi32, #tpu.memory_space<vmem>>, vector<16xi32>,
        %broadcast_in_dim3A_188 = arith.constant true
        %broadcast_in_dim3A_189 = vector.broadcast %broadcast_in_dim3A_188 : i1 to vector<16xi1>
        %unique3A_190, %unique3A_191 = tpu.scan_count mask(%broadcast_in_dim3A_189 : vector<16xi1>) value(%get3A_187 : vector<16xi32>) : vector<16xi1>, vector<16xi32>
        %convert_element_type3A_192 = arith.sitofp %unique3A_191 : vector<16xi32> to vector<16xf32>
        tpu.vector_store_idx %arg11[%get3A_187], %convert_element_type3A_192 masked %unique3A_190 {add = true} : memref<10240xf32, #tpu.memory_space<vmem>>[vector<16xi32>], vector<16xf32>, vector<16xi1>
        %get3A_193 = arith.index_cast %add3A_144 : i32 to index
        %get3A_194 = arith.constant 96 : index
        %get3A_195 = tpu.vector_load %arg8[%get3A_193, %get3A_194] {strides = array<i32>} : memref<16x128xi32, #tpu.memory_space<vmem>>, vector<16xi32>,
        %broadcast_in_dim3A_196 = arith.constant true
        %broadcast_in_dim3A_197 = vector.broadcast %broadcast_in_dim3A_196 : i1 to vector<16xi1>
        %unique3A_198, %unique3A_199 = tpu.scan_count mask(%broadcast_in_dim3A_197 : vector<16xi1>) value(%get3A_195 : vector<16xi32>) : vector<16xi1>, vector<16xi32>
        %convert_element_type3A_200 = arith.sitofp %unique3A_199 : vector<16xi32> to vector<16xf32>
        tpu.vector_store_idx %arg11[%get3A_195], %convert_element_type3A_200 masked %unique3A_198 {add = true} : memref<10240xf32, #tpu.memory_space<vmem>>[vector<16xi32>], vector<16xf32>, vector<16xi1>
        %get3A_201 = arith.index_cast %add3A_144 : i32 to index
        %get3A_202 = arith.constant 112 : index
        %get3A_203 = tpu.vector_load %arg8[%get3A_201, %get3A_202] {strides = array<i32>} : memref<16x128xi32, #tpu.memory_space<vmem>>, vector<16xi32>,
        %broadcast_in_dim3A_204 = arith.constant true
        %broadcast_in_dim3A_205 = vector.broadcast %broadcast_in_dim3A_204 : i1 to vector<16xi1>
        %unique3A_206, %unique3A_207 = tpu.scan_count mask(%broadcast_in_dim3A_205 : vector<16xi1>) value(%get3A_203 : vector<16xi32>) : vector<16xi1>, vector<16xi32>
        %convert_element_type3A_208 = arith.sitofp %unique3A_207 : vector<16xi32> to vector<16xf32>
        tpu.vector_store_idx %arg11[%get3A_203], %convert_element_type3A_208 masked %unique3A_206 {add = true} : memref<10240xf32, #tpu.memory_space<vmem>>[vector<16xi32>], vector<16xf32>, vector<16xi1>
        %add3A_209 = arith.constant 1 : i32
        %add3A_210 = arith.addi %mul3A_60, %add3A_209 : i32
        %dma_wait3A_211 = arith.constant 0 : i32
        %dma_wait3A_212 = tpu.memref_slice %arg7[%add3A_210, %dma_wait3A_211] : memref<16x128xi32, #tpu.memory_space<vmem>> -> memref<1x128xi32, #tpu.memory_space<vmem>>
        %dma_wait3A_213 = tpu.memref_squeeze %dma_wait3A_212 : memref<1x128xi32, #tpu.memory_space<vmem>> -> memref<128xi32, #tpu.memory_space<vmem>>
        %dma_wait3A_214 = arith.constant 0 : i32
        %dma_wait3A_215 = arith.constant 0 : i32
        %dma_wait3A_216 = tpu.memref_slice %arg2[%dma_wait3A_214, %dma_wait3A_215] : memref<10000x128xf32, #tpu.memory_space<hbm>> -> memref<10000x128xf32, #tpu.memory_space<hbm>>
        tpu.wait_indirect_dma semaphore(%arg13 : memref<!tpu.dma_semaphore, #tpu.memory_space<semaphore_mem>>) src(%dma_wait3A_216 : memref<10000x128xf32, #tpu.memory_space<hbm>>) dst(%arg10 : memref<128x128xf32, #tpu.memory_space<vmem>>)
        %add3A_217 = arith.constant 1 : i32
        %add3A_218 = arith.addi %mul3A_60, %add3A_217 : i32
        "tpu.region"() ({
          %run_scoped3A = tpu.sem_alloc : memref<!tpu.dma_semaphore, #tpu.memory_space<semaphore_mem>>
          %dma_start3A_219 = arith.constant 0 : i32
          %dma_start3A_220 = tpu.memref_slice %arg8[%add3A_218, %dma_start3A_219] : memref<16x128xi32, #tpu.memory_space<vmem>> -> memref<1x128xi32, #tpu.memory_space<vmem>>
          %dma_start3A_221 = tpu.memref_squeeze %dma_start3A_220 : memref<1x128xi32, #tpu.memory_space<vmem>> -> memref<128xi32, #tpu.memory_space<vmem>>
          %dma_start3A_222 = arith.constant 0 : i32
          %dma_start3A_223 = arith.constant 0 : i32
          %dma_start3A_224 = tpu.memref_slice %arg14[%dma_start3A_222, %dma_start3A_223] : memref<10240x128xf32, #tpu.memory_space<vmem_shared>> -> memref<10240x128xf32, #tpu.memory_space<vmem_shared>>
          tpu.enqueue_indirect_dma source(%arg10 : memref<128x128xf32, #tpu.memory_space<vmem>>) target(%dma_start3A_224 : memref<10240x128xf32, #tpu.memory_space<vmem_shared>>) offsets(%dma_start3A_221 : memref<128xi32, #tpu.memory_space<vmem>>) semaphore(%run_scoped3A : memref<!tpu.dma_semaphore, #tpu.memory_space<semaphore_mem>>) {add = true}
          %dma_wait3A_225 = arith.constant 0 : i32
          %dma_wait3A_226 = tpu.memref_slice %arg8[%add3A_218, %dma_wait3A_225] : memref<16x128xi32, #tpu.memory_space<vmem>> -> memref<1x128xi32, #tpu.memory_space<vmem>>
          %dma_wait3A_227 = tpu.memref_squeeze %dma_wait3A_226 : memref<1x128xi32, #tpu.memory_space<vmem>> -> memref<128xi32, #tpu.memory_space<vmem>>
          %dma_wait3A_228 = arith.constant 0 : i32
          %dma_wait3A_229 = arith.constant 0 : i32
          %dma_wait3A_230 = tpu.memref_slice %arg14[%dma_wait3A_228, %dma_wait3A_229] : memref<10240x128xf32, #tpu.memory_space<vmem_shared>> -> memref<10240x128xf32, #tpu.memory_space<vmem_shared>>
          tpu.wait_indirect_dma semaphore(%run_scoped3A : memref<!tpu.dma_semaphore, #tpu.memory_space<semaphore_mem>>) src(%arg10 : memref<128x128xf32, #tpu.memory_space<vmem>>) dst(%dma_wait3A_230 : memref<10240x128xf32, #tpu.memory_space<vmem_shared>>)
          tpu.yield
        }) : () -> ()
      }
      %scan3A_57 = arith.constant 8 : i32
    }
    %scan3A_30 = arith.constant 5 : i32
    %barrier3A_31 = arith.constant 0 : index
    tpu.barrier barrier_id(%barrier3A_31)
    %lt3A = arith.constant 15 : i32
    %lt3A_32 = arith.cmpi slt, %arg1, %lt3A : i32
    %convert_element_type3A = arith.extui %lt3A_32 : i1 to i32
    %cond3A = arith.constant 0 : i32
    %cond3A_33 = arith.cmpi ne, %convert_element_type3A, %cond3A : i32
    scf.if %cond3A_33 {
      "tpu.region"() ({
        %run_scoped3A = tpu.sem_alloc : memref<!tpu.dma_semaphore, #tpu.memory_space<semaphore_mem>>
        %dma_start3A = arith.constant 0 : i32
        %dma_start3A_38 = tpu.memref_slice %arg5[%arg0, %mul3A_14, %dma_start3A] : memref<2x10000x128xf32, #tpu.memory_space<hbm>> -> memref<1x640x128xf32, #tpu.memory_space<hbm>>
        %dma_start3A_39 = tpu.memref_squeeze %dma_start3A_38 : memref<1x640x128xf32, #tpu.memory_space<hbm>> -> memref<640x128xf32, #tpu.memory_space<hbm>>
        %dma_start3A_40 = arith.constant 0 : i32
        %dma_start3A_41 = tpu.memref_slice %arg14[%mul3A_14, %dma_start3A_40] : memref<10240x128xf32, #tpu.memory_space<vmem_shared>> -> memref<640x128xf32, #tpu.memory_space<vmem_shared>>
        tpu.enqueue_dma source(%dma_start3A_41 : memref<640x128xf32, #tpu.memory_space<vmem_shared>>) target(%dma_start3A_39 : memref<640x128xf32, #tpu.memory_space<hbm>>) target_semaphore(%run_scoped3A : memref<!tpu.dma_semaphore, #tpu.memory_space<semaphore_mem>>)
        %dma_wait3A = arith.constant 0 : i32
        %dma_wait3A_42 = tpu.memref_slice %arg5[%arg0, %mul3A_14, %dma_wait3A] : memref<2x10000x128xf32, #tpu.memory_space<hbm>> -> memref<1x640x128xf32, #tpu.memory_space<hbm>>
        %dma_wait3A_43 = tpu.memref_squeeze %dma_wait3A_42 : memref<1x640x128xf32, #tpu.memory_space<hbm>> -> memref<640x128xf32, #tpu.memory_space<hbm>>
        %dma_wait3A_44 = arith.constant 0 : i32
        %dma_wait3A_45 = tpu.memref_slice %arg14[%mul3A_14, %dma_wait3A_44] : memref<10240x128xf32, #tpu.memory_space<vmem_shared>> -> memref<640x128xf32, #tpu.memory_space<vmem_shared>>
        tpu.wait_dma2 semaphore(%run_scoped3A : memref<!tpu.dma_semaphore, #tpu.memory_space<semaphore_mem>>) src(%dma_wait3A_45 : memref<640x128xf32, #tpu.memory_space<vmem_shared>>) dst(%dma_wait3A_43 : memref<640x128xf32, #tpu.memory_space<hbm>>)
        tpu.yield
      }) : () -> ()
    } else {
    }
    %eq3A = arith.constant 15 : i32
    %eq3A_34 = arith.cmpi eq, %arg1, %eq3A : i32
    %convert_element_type3A_35 = arith.extui %eq3A_34 : i1 to i32
    %cond3A_36 = arith.constant 0 : i32
    %cond3A_37 = arith.cmpi ne, %convert_element_type3A_35, %cond3A_36 : i32
    scf.if %cond3A_37 {
      "tpu.region"() ({
        %run_scoped3A = tpu.sem_alloc : memref<!tpu.dma_semaphore, #tpu.memory_space<semaphore_mem>>
        %dma_start3A = arith.constant 0 : i32
        %dma_start3A_38 = tpu.memref_slice %arg5[%arg0, %mul3A_14, %dma_start3A] : memref<2x10000x128xf32, #tpu.memory_space<hbm>> -> memref<1x400x128xf32, #tpu.memory_space<hbm>>
        %dma_start3A_39 = tpu.memref_squeeze %dma_start3A_38 : memref<1x400x128xf32, #tpu.memory_space<hbm>> -> memref<400x128xf32, #tpu.memory_space<hbm>>
        %dma_start3A_40 = arith.constant 0 : i32
        %dma_start3A_41 = tpu.memref_slice %arg14[%mul3A_14, %dma_start3A_40] : memref<10240x128xf32, #tpu.memory_space<vmem_shared>> -> memref<400x128xf32, #tpu.memory_space<vmem_shared>>
        tpu.enqueue_dma source(%dma_start3A_41 : memref<400x128xf32, #tpu.memory_space<vmem_shared>>) target(%dma_start3A_39 : memref<400x128xf32, #tpu.memory_space<hbm>>) target_semaphore(%run_scoped3A : memref<!tpu.dma_semaphore, #tpu.memory_space<semaphore_mem>>)
        %dma_wait3A = arith.constant 0 : i32
        %dma_wait3A_42 = tpu.memref_slice %arg5[%arg0, %mul3A_14, %dma_wait3A] : memref<2x10000x128xf32, #tpu.memory_space<hbm>> -> memref<1x400x128xf32, #tpu.memory_space<hbm>>
        %dma_wait3A_43 = tpu.memref_squeeze %dma_wait3A_42 : memref<1x400x128xf32, #tpu.memory_space<hbm>> -> memref<400x128xf32, #tpu.memory_space<hbm>>
        %dma_wait3A_44 = arith.constant 0 : i32
        %dma_wait3A_45 = tpu.memref_slice %arg14[%mul3A_14, %dma_wait3A_44] : memref<10240x128xf32, #tpu.memory_space<vmem_shared>> -> memref<400x128xf32, #tpu.memory_space<vmem_shared>>
        tpu.wait_dma2 semaphore(%run_scoped3A : memref<!tpu.dma_semaphore, #tpu.memory_space<semaphore_mem>>) src(%dma_wait3A_45 : memref<400x128xf32, #tpu.memory_space<vmem_shared>>) dst(%dma_wait3A_43 : memref<400x128xf32, #tpu.memory_space<hbm>>)
        tpu.yield
      }) : () -> ()
    } else {
    }
    "tpu.region"() ({
      %run_scoped3A = tpu.sem_alloc : memref<!tpu.dma_semaphore, #tpu.memory_space<semaphore_mem>>
      %dma_start3A = arith.constant 0 : i32
      %dma_start3A_38 = tpu.memref_slice %arg6[%add3A, %dma_start3A] : memref<32x10240xf32, #tpu.memory_space<hbm>> -> memref<1x10240xf32, #tpu.memory_space<hbm>>
      %dma_start3A_39 = tpu.memref_squeeze %dma_start3A_38 : memref<1x10240xf32, #tpu.memory_space<hbm>> -> memref<10240xf32, #tpu.memory_space<hbm>>
      %dma_start3A_40 = arith.constant 0 : i32
      %dma_start3A_41 = tpu.memref_slice %arg6[%add3A, %dma_start3A_40] : memref<32x10240xf32, #tpu.memory_space<hbm>> -> memref<1x10240xf32, #tpu.memory_space<hbm>>
      %dma_start3A_42 = tpu.memref_squeeze %dma_start3A_41 : memref<1x10240xf32, #tpu.memory_space<hbm>> -> memref<10240xf32, #tpu.memory_space<hbm>>
      tpu.enqueue_dma source(%arg11 : memref<10240xf32, #tpu.memory_space<vmem>>) target(%dma_start3A_42 : memref<10240xf32, #tpu.memory_space<hbm>>) target_semaphore(%run_scoped3A : memref<!tpu.dma_semaphore, #tpu.memory_space<semaphore_mem>>)
      %dma_wait3A = arith.constant 0 : i32
      %dma_wait3A_43 = tpu.memref_slice %arg6[%add3A, %dma_wait3A] : memref<32x10240xf32, #tpu.memory_space<hbm>> -> memref<1x10240xf32, #tpu.memory_space<hbm>>
      %dma_wait3A_44 = tpu.memref_squeeze %dma_wait3A_43 : memref<1x10240xf32, #tpu.memory_space<hbm>> -> memref<10240xf32, #tpu.memory_space<hbm>>
      %dma_wait3A_45 = arith.constant 0 : i32
      %dma_wait3A_46 = tpu.memref_slice %arg6[%add3A, %dma_wait3A_45] : memref<32x10240xf32, #tpu.memory_space<hbm>> -> memref<1x10240xf32, #tpu.memory_space<hbm>>
      %dma_wait3A_47 = tpu.memref_squeeze %dma_wait3A_46 : memref<1x10240xf32, #tpu.memory_space<hbm>> -> memref<10240xf32, #tpu.memory_space<hbm>>
      tpu.wait_dma2 semaphore(%run_scoped3A : memref<!tpu.dma_semaphore, #tpu.memory_space<semaphore_mem>>) src(%arg11 : memref<10240xf32, #tpu.memory_space<vmem>>) dst(%dma_wait3A_47 : memref<10240xf32, #tpu.memory_space<hbm>>)
      tpu.yield
    }) : () -> ()
    return
  }
}

module attributes {stable_mosaic.version = 14 : i64} {
  func.func @_tc_body(%arg0: i32, %arg1: i32, %arg2: memref<1000x128xf32, #tpu.memory_space<vmem>>, %arg3: memref<2x1000x128xf32, #tpu.memory_space<vmem>>, %arg4: memref<1000x32xf32, #tpu.memory_space<vmem>>, %arg5: memref<1x128xf32, #tpu.memory_space<vmem>>, %arg6: memref<1x128xf32, #tpu.memory_space<vmem>>, %arg7: memref<128x128xf32, #tpu.memory_space<vmem>>, %arg8: memref<128x128xf32, #tpu.memory_space<vmem>>, %arg9: memref<1x128xf32, #tpu.memory_space<vmem>>, %arg10: memref<1000x128xf32, #tpu.memory_space<vmem>>, %arg11: memref<2x128xf32, #tpu.memory_space<vmem>>, %arg12: memref<2x128xf32, #tpu.memory_space<vmem>>) attributes {dimension_semantics = [#tpu.dimension_semantics<arbitrary>, #tpu.dimension_semantics<arbitrary>], iteration_bounds = array<i64: 2, 10>, scalar_prefetch = 0 : i64, scratch_operands = 2 : i64, tpu.core_type = #tpu.core_type<tc>, window_params = [{transform_indices = @transform_0, window_bounds = array<i64: 1000, 128>}, {transform_indices = @transform_1, window_bounds = array<i64: 2, 1000, 128>}, {transform_indices = @transform_2, window_bounds = array<i64: 1000, 32>}, {pipeline_mode = #tpu.pipeline_mode<synchronous>, transform_indices = @transform_3, window_bounds = array<i64: 1, 128>}, {pipeline_mode = #tpu.pipeline_mode<synchronous>, transform_indices = @transform_4, window_bounds = array<i64: 1, 128>}, {pipeline_mode = #tpu.pipeline_mode<synchronous>, transform_indices = @transform_5, window_bounds = array<i64: 128, 128>}, {pipeline_mode = #tpu.pipeline_mode<synchronous>, transform_indices = @transform_6, window_bounds = array<i64: 128, 128>}, {pipeline_mode = #tpu.pipeline_mode<synchronous>, transform_indices = @transform_7, window_bounds = array<i64: 1, 128>}, {transform_indices = @transform_8, window_bounds = array<i64: 1000, 128>}]} {
    %eq3A = arith.constant 0 : i32
    %eq3A_0 = arith.cmpi eq, %arg0, %eq3A : i32
    %convert_element_type3A = arith.extui %eq3A_0 : i1 to i32
    %cond3A = arith.constant 0 : i32
    %cond3A_1 = arith.cmpi ne, %convert_element_type3A, %cond3A : i32
    scf.if %cond3A_1 {
      %eq3A_7 = arith.constant 0 : i32
      %eq3A_8 = arith.cmpi eq, %arg1, %eq3A_7 : i32
      %convert_element_type3A_9 = arith.extui %eq3A_8 : i1 to i32
      %cond3A_10 = arith.constant 0 : i32
      %cond3A_11 = arith.cmpi ne, %convert_element_type3A_9, %cond3A_10 : i32
      scf.if %cond3A_11 {
        %broadcast_in_dim3A_35 = arith.constant 0.000000e+00 : f32
        %broadcast_in_dim3A_36 = vector.broadcast %broadcast_in_dim3A_35 : f32 to vector<2x128xf32>
        %swap3A_37 = arith.constant 0 : index
        %swap3A_38 = arith.constant 0 : index
        %swap3A_39 = vector.load %arg11[%swap3A_37, %swap3A_38] : memref<2x128xf32, #tpu.memory_space<vmem>>, vector<2x128xf32>
        tpu.vector_store %arg11[%swap3A_37, %swap3A_38], %broadcast_in_dim3A_36 {strides = array<i32>} : memref<2x128xf32, #tpu.memory_space<vmem>>, vector<2x128xf32>,
      } else {
      }
      %get3A = arith.constant 0 : index
      %get3A_12 = arith.constant 0 : index
      %get3A_13 = vector.load %arg2[%get3A, %get3A_12] : memref<1000x128xf32, #tpu.memory_space<vmem>>, vector<1000x128xf32>
      %get3A_14 = arith.constant 0 : index
      %get3A_15 = arith.constant 0 : index
      %get3A_16 = vector.load %arg11[%get3A_14, %get3A_15] : memref<2x128xf32, #tpu.memory_space<vmem>>, vector<1x128xf32>
      %reduce_sum3A = arith.constant dense<0.000000e+00> : vector<128xf32>
      %reduce_sum3A_17 = vector.multi_reduction <add>, %get3A_13, %reduce_sum3A [0] : vector<1000x128xf32> to vector<128xf32>
      %broadcast_in_dim3A = vector.shape_cast %reduce_sum3A_17 : vector<128xf32> to vector<1x128xf32>
      %add3A = arith.addf %get3A_16, %broadcast_in_dim3A : vector<1x128xf32>
      %swap3A = arith.constant 0 : index
      %swap3A_18 = arith.constant 0 : index
      %swap3A_19 = vector.load %arg11[%swap3A, %swap3A_18] : memref<2x128xf32, #tpu.memory_space<vmem>>, vector<1x128xf32>
      tpu.vector_store %arg11[%swap3A, %swap3A_18], %add3A {strides = array<i32>} : memref<2x128xf32, #tpu.memory_space<vmem>>, vector<1x128xf32>,
      %get3A_20 = arith.constant 1 : index
      %get3A_21 = arith.constant 0 : index
      %get3A_22 = vector.load %arg11[%get3A_20, %get3A_21] : memref<2x128xf32, #tpu.memory_space<vmem>>, vector<1x128xf32>
      %mul3A = arith.mulf %get3A_13, %get3A_13 : vector<1000x128xf32>
      %reduce_sum3A_23 = arith.constant dense<0.000000e+00> : vector<128xf32>
      %reduce_sum3A_24 = vector.multi_reduction <add>, %mul3A, %reduce_sum3A_23 [0] : vector<1000x128xf32> to vector<128xf32>
      %broadcast_in_dim3A_25 = vector.shape_cast %reduce_sum3A_24 : vector<128xf32> to vector<1x128xf32>
      %add3A_26 = arith.addf %get3A_22, %broadcast_in_dim3A_25 : vector<1x128xf32>
      %swap3A_27 = arith.constant 1 : index
      %swap3A_28 = arith.constant 0 : index
      %swap3A_29 = vector.load %arg11[%swap3A_27, %swap3A_28] : memref<2x128xf32, #tpu.memory_space<vmem>>, vector<1x128xf32>
      tpu.vector_store %arg11[%swap3A_27, %swap3A_28], %add3A_26 {strides = array<i32>} : memref<2x128xf32, #tpu.memory_space<vmem>>, vector<1x128xf32>,
      %eq3A_30 = arith.constant 9 : i32
      %eq3A_31 = arith.cmpi eq, %arg1, %eq3A_30 : i32
      %convert_element_type3A_32 = arith.extui %eq3A_31 : i1 to i32
      %cond3A_33 = arith.constant 0 : i32
      %cond3A_34 = arith.cmpi ne, %convert_element_type3A_32, %cond3A_33 : i32
      scf.if %cond3A_34 {
        %get3A_35 = arith.constant 0 : index
        %get3A_36 = arith.constant 0 : index
        %get3A_37 = vector.load %arg11[%get3A_35, %get3A_36] : memref<2x128xf32, #tpu.memory_space<vmem>>, vector<1x128xf32>
        %mul3A_38 = arith.constant 9.99999974E-5 : f32
        %mul3A_39 = vector.broadcast %mul3A_38 : f32 to vector<1x128xf32>
        %mul3A_40 = arith.mulf %get3A_37, %mul3A_39 : vector<1x128xf32>
        %get3A_41 = arith.constant 1 : index
        %get3A_42 = arith.constant 0 : index
        %get3A_43 = vector.load %arg11[%get3A_41, %get3A_42] : memref<2x128xf32, #tpu.memory_space<vmem>>, vector<1x128xf32>
        %mul3A_44 = arith.constant 9.99999974E-5 : f32
        %mul3A_45 = vector.broadcast %mul3A_44 : f32 to vector<1x128xf32>
        %mul3A_46 = arith.mulf %get3A_43, %mul3A_45 : vector<1x128xf32>
        %mul3A_47 = arith.mulf %mul3A_40, %mul3A_40 : vector<1x128xf32>
        %sub3A = arith.subf %mul3A_46, %mul3A_47 : vector<1x128xf32>
        %get3A_48 = arith.constant 0 : index
        %get3A_49 = arith.constant 0 : index
        %get3A_50 = vector.load %arg5[%get3A_48, %get3A_49] : memref<1x128xf32, #tpu.memory_space<vmem>>, vector<1x128xf32>
        %add3A_51 = arith.constant 9.99999974E-6 : f32
        %add3A_52 = vector.broadcast %add3A_51 : f32 to vector<1x128xf32>
        %add3A_53 = arith.addf %sub3A, %add3A_52 : vector<1x128xf32>
        %rsqrt3A = math.rsqrt %add3A_53 : vector<1x128xf32>
        %mul3A_54 = arith.mulf %get3A_50, %rsqrt3A : vector<1x128xf32>
        %swap3A_55 = arith.constant 0 : index
        %swap3A_56 = arith.constant 0 : index
        %swap3A_57 = vector.load %arg12[%swap3A_55, %swap3A_56] : memref<2x128xf32, #tpu.memory_space<vmem>>, vector<1x128xf32>
        tpu.vector_store %arg12[%swap3A_55, %swap3A_56], %mul3A_54 {strides = array<i32>} : memref<2x128xf32, #tpu.memory_space<vmem>>, vector<1x128xf32>,
        %get3A_58 = arith.constant 0 : index
        %get3A_59 = arith.constant 0 : index
        %get3A_60 = vector.load %arg6[%get3A_58, %get3A_59] : memref<1x128xf32, #tpu.memory_space<vmem>>, vector<1x128xf32>
        %mul3A_61 = arith.mulf %mul3A_40, %mul3A_54 : vector<1x128xf32>
        %sub3A_62 = arith.subf %get3A_60, %mul3A_61 : vector<1x128xf32>
        %swap3A_63 = arith.constant 1 : index
        %swap3A_64 = arith.constant 0 : index
        %swap3A_65 = vector.load %arg12[%swap3A_63, %swap3A_64] : memref<2x128xf32, #tpu.memory_space<vmem>>, vector<1x128xf32>
        tpu.vector_store %arg12[%swap3A_63, %swap3A_64], %sub3A_62 {strides = array<i32>} : memref<2x128xf32, #tpu.memory_space<vmem>>, vector<1x128xf32>,
      } else {
      }
    } else {
    }
    %eq3A_2 = arith.constant 1 : i32
    %eq3A_3 = arith.cmpi eq, %arg0, %eq3A_2 : i32
    %convert_element_type3A_4 = arith.extui %eq3A_3 : i1 to i32
    %cond3A_5 = arith.constant 0 : i32
    %cond3A_6 = arith.cmpi ne, %convert_element_type3A_4, %cond3A_5 : i32
    scf.if %cond3A_6 {
      %get3A = arith.constant 0 : index
      %get3A_7 = arith.constant 0 : index
      %get3A_8 = vector.load %arg12[%get3A, %get3A_7] : memref<2x128xf32, #tpu.memory_space<vmem>>, vector<1x128xf32>
      %get3A_9 = arith.constant 1 : index
      %get3A_10 = arith.constant 0 : index
      %get3A_11 = vector.load %arg12[%get3A_9, %get3A_10] : memref<2x128xf32, #tpu.memory_space<vmem>>, vector<1x128xf32>
      %get3A_12 = arith.constant 0 : index
      %get3A_13 = arith.constant 0 : index
      %get3A_14 = vector.load %arg2[%get3A_12, %get3A_13] : memref<1000x128xf32, #tpu.memory_space<vmem>>, vector<1000x128xf32>
      %mul3A = vector.broadcast %get3A_8 : vector<1x128xf32> to vector<1000x128xf32>
      %mul3A_15 = arith.mulf %get3A_14, %mul3A : vector<1000x128xf32>
      %add3A = vector.broadcast %get3A_11 : vector<1x128xf32> to vector<1000x128xf32>
      %add3A_16 = arith.addf %mul3A_15, %add3A : vector<1000x128xf32>
      %get3A_17 = arith.constant 0 : index
      %get3A_18 = arith.constant 0 : index
      %get3A_19 = arith.constant 0 : index
      %get3A_20 = vector.load %arg3[%get3A_17, %get3A_18, %get3A_19] : memref<2x1000x128xf32, #tpu.memory_space<vmem>>, vector<1x1000x128xf32>
      %get3A_21 = vector.shape_cast %get3A_20 : vector<1x1000x128xf32> to vector<1000x128xf32>
      %get3A_22 = arith.constant 1 : index
      %get3A_23 = arith.constant 0 : index
      %get3A_24 = arith.constant 0 : index
      %get3A_25 = vector.load %arg3[%get3A_22, %get3A_23, %get3A_24] : memref<2x1000x128xf32, #tpu.memory_space<vmem>>, vector<1x1000x128xf32>
      %get3A_26 = vector.shape_cast %get3A_25 : vector<1x1000x128xf32> to vector<1000x128xf32>
      %add3A_27 = arith.addf %get3A_21, %get3A_26 : vector<1000x128xf32>
      %get3A_28 = arith.constant 0 : index
      %get3A_29 = arith.constant 0 : index
      %get3A_30 = vector.load %arg4[%get3A_28, %get3A_29] : memref<1000x32xf32, #tpu.memory_space<vmem>>, vector<1000x32xf32>
      %reduce_sum3A = arith.constant dense<0.000000e+00> : vector<1000xf32>
      %reduce_sum3A_31 = vector.multi_reduction <add>, %get3A_30, %reduce_sum3A [1] : vector<1000x32xf32> to vector<1000xf32>
      %broadcast_in_dim3A = vector.shape_cast %reduce_sum3A_31 : vector<1000xf32> to vector<1000x1xf32>
      %max3A = arith.constant 1.000000e+00 : f32
      %max3A_32 = vector.broadcast %max3A : f32 to vector<1000x1xf32>
      %max3A_33 = arith.maximumf %broadcast_in_dim3A, %max3A_32 : vector<1000x1xf32>
      %div3A = vector.broadcast %max3A_33 : vector<1000x1xf32> to vector<1000x128xf32>
      %div3A_34 = arith.divf %add3A_27, %div3A : vector<1000x128xf32>
      %mul3A_35 = vector.broadcast %get3A_8 : vector<1x128xf32> to vector<1000x128xf32>
      %mul3A_36 = arith.mulf %div3A_34, %mul3A_35 : vector<1000x128xf32>
      %gt3A = arith.constant 0.000000e+00 : f32
      %gt3A_37 = vector.broadcast %gt3A : f32 to vector<1000x1xf32>
      %gt3A_38 = arith.cmpf ogt, %broadcast_in_dim3A, %gt3A_37 : vector<1000x1xf32>
      %jit3A = arith.constant 0.000000e+00 : f32
      %broadcast_in_dim3A_39 = vector.shape_cast %gt3A_38 : vector<1000x1xi1> to vector<1000x1xi1>
      %broadcast_in_dim3A_40 = vector.broadcast %broadcast_in_dim3A_39 : vector<1000x1xi1> to vector<1000x128xi1>
      %broadcast_in_dim3A_41 = vector.shape_cast %get3A_11 : vector<1x128xf32> to vector<1x128xf32>
      %broadcast_in_dim3A_42 = vector.broadcast %broadcast_in_dim3A_41 : vector<1x128xf32> to vector<1000x128xf32>
      %broadcast_in_dim3A_43 = vector.broadcast %jit3A : f32 to vector<1000x128xf32>
      %select_n3A = arith.select %broadcast_in_dim3A_40, %broadcast_in_dim3A_42, %broadcast_in_dim3A_43 : vector<1000x128xi1>, vector<1000x128xf32>
      %add3A_44 = arith.addf %mul3A_36, %select_n3A : vector<1000x128xf32>
      %get3A_45 = arith.constant 0 : index
      %get3A_46 = arith.constant 0 : index
      %get3A_47 = vector.load %arg7[%get3A_45, %get3A_46] : memref<128x128xf32, #tpu.memory_space<vmem>>, vector<128x128xf32>
      %dot_general3A = arith.constant dense<0.000000e+00> : vector<1000x128xf32>
      %dot_general3A_48 = tpu.matmul %add3A_16, %get3A_47, %dot_general3A {dimension_numbers = #tpu.dot_dimension_numbers<[1], [0], [0], [1], [0, 0, 1, 1], [], []>, transpose_lhs_hint = false} : vector<1000x128xf32>, vector<128x128xf32>, vector<1000x128xf32> -> vector<1000x128xf32>
      %get3A_49 = arith.constant 0 : index
      %get3A_50 = arith.constant 0 : index
      %get3A_51 = vector.load %arg8[%get3A_49, %get3A_50] : memref<128x128xf32, #tpu.memory_space<vmem>>, vector<128x128xf32>
      %dot_general3A_52 = arith.constant dense<0.000000e+00> : vector<1000x128xf32>
      %dot_general3A_53 = tpu.matmul %add3A_44, %get3A_51, %dot_general3A_52 {dimension_numbers = #tpu.dot_dimension_numbers<[1], [0], [0], [1], [0, 0, 1, 1], [], []>, transpose_lhs_hint = false} : vector<1000x128xf32>, vector<128x128xf32>, vector<1000x128xf32> -> vector<1000x128xf32>
      %add3A_54 = arith.addf %dot_general3A_48, %dot_general3A_53 : vector<1000x128xf32>
      %get3A_55 = arith.constant 0 : index
      %get3A_56 = arith.constant 0 : index
      %get3A_57 = vector.load %arg9[%get3A_55, %get3A_56] : memref<1x128xf32, #tpu.memory_space<vmem>>, vector<1x128xf32>
      %add3A_58 = vector.broadcast %get3A_57 : vector<1x128xf32> to vector<1000x128xf32>
      %add3A_59 = arith.addf %add3A_54, %add3A_58 : vector<1000x128xf32>
      %add3A_60 = arith.addf %add3A_59, %add3A_16 : vector<1000x128xf32>
      %mul3A_61 = arith.constant 5.000000e-01 : f32
      %mul3A_62 = vector.broadcast %mul3A_61 : f32 to vector<1000x128xf32>
      %mul3A_63 = arith.mulf %mul3A_62, %add3A_60 : vector<1000x128xf32>
      %mul3A_64 = arith.constant 0.707106769 : f32
      %mul3A_65 = vector.broadcast %mul3A_64 : f32 to vector<1000x128xf32>
      %mul3A_66 = arith.mulf %add3A_60, %mul3A_65 : vector<1000x128xf32>
      %erf3A = math.erf %mul3A_66 : vector<1000x128xf32>
      %add3A_67 = arith.constant 1.000000e+00 : f32
      %add3A_68 = vector.broadcast %add3A_67 : f32 to vector<1000x128xf32>
      %add3A_69 = arith.addf %add3A_68, %erf3A : vector<1000x128xf32>
      %mul3A_70 = arith.mulf %mul3A_63, %add3A_69 : vector<1000x128xf32>
      %swap3A = arith.constant 0 : index
      %swap3A_71 = arith.constant 0 : index
      %swap3A_72 = vector.load %arg10[%swap3A, %swap3A_71] : memref<1000x128xf32, #tpu.memory_space<vmem>>, vector<1000x128xf32>
      tpu.vector_store %arg10[%swap3A, %swap3A_71], %mul3A_70 {strides = array<i32>} : memref<1000x128xf32, #tpu.memory_space<vmem>>, vector<1000x128xf32>,
    } else {
    }
    return
  }
  func.func @transform_0(%arg0: i32, %arg1: i32) -> (i32, i32) {
    %c0_i32 = arith.constant 0 : i32
    %c0_i32_0 = arith.constant 0 : i32
    return %arg1, %c0_i32 : i32, i32
  }
  func.func @transform_1(%arg0: i32, %arg1: i32) -> (i32, i32, i32) {
    %mul3A = arith.muli %arg0, %arg1 : i32
    %c0_i32 = arith.constant 0 : i32
    %c0_i32_0 = arith.constant 0 : i32
    %c0_i32_1 = arith.constant 0 : i32
    return %c0_i32, %mul3A, %c0_i32_0 : i32, i32, i32
  }
  func.func @transform_2(%arg0: i32, %arg1: i32) -> (i32, i32) {
    %mul3A = arith.muli %arg0, %arg1 : i32
    %c0_i32 = arith.constant 0 : i32
    %c0_i32_0 = arith.constant 0 : i32
    return %mul3A, %c0_i32 : i32, i32
  }
  func.func @transform_3(%arg0: i32, %arg1: i32) -> (i32, i32) {
    %c0_i32 = arith.constant 0 : i32
    %c0_i32_0 = arith.constant 0 : i32
    %c0_i32_1 = arith.constant 0 : i32
    return %c0_i32, %c0_i32_0 : i32, i32
  }
  func.func @transform_4(%arg0: i32, %arg1: i32) -> (i32, i32) {
    %c0_i32 = arith.constant 0 : i32
    %c0_i32_0 = arith.constant 0 : i32
    %c0_i32_1 = arith.constant 0 : i32
    return %c0_i32, %c0_i32_0 : i32, i32
  }
  func.func @transform_5(%arg0: i32, %arg1: i32) -> (i32, i32) {
    %c0_i32 = arith.constant 0 : i32
    %c0_i32_0 = arith.constant 0 : i32
    %c0_i32_1 = arith.constant 0 : i32
    return %c0_i32, %c0_i32_0 : i32, i32
  }
  func.func @transform_6(%arg0: i32, %arg1: i32) -> (i32, i32) {
    %c0_i32 = arith.constant 0 : i32
    %c0_i32_0 = arith.constant 0 : i32
    %c0_i32_1 = arith.constant 0 : i32
    return %c0_i32, %c0_i32_0 : i32, i32
  }
  func.func @transform_7(%arg0: i32, %arg1: i32) -> (i32, i32) {
    %c0_i32 = arith.constant 0 : i32
    %c0_i32_0 = arith.constant 0 : i32
    %c0_i32_1 = arith.constant 0 : i32
    return %c0_i32, %c0_i32_0 : i32, i32
  }
  func.func @transform_8(%arg0: i32, %arg1: i32) -> (i32, i32) {
    %c0_i32 = arith.constant 0 : i32
    %c0_i32_0 = arith.constant 0 : i32
    return %arg1, %c0_i32 : i32, i32
  }
}

</mosaic_0001>

<sc_bundles>
// kernel: kernel.4.cloned.1.call-start
scs
__scs_entry_jumppad:
0x0: {  	(pc) =	sbr.rel $0x88, $3  }
0x1: {  	(tag) =	ssettag $0x0;
	lr =	simm.s32 $0x1  }
0x2: {  	[smem:$0x3F9A] =	sst lr;
	_ =	strace $0xD0000000  }
0x3: {  	_ = 	snop  }
0x4: {  	_ = 	snop  }
0x5: {  	_ = 	snop  }
0x6: {  	_ = 	snop  }
0x7: {  	_ = 	snop  }
__scs_overlays_trampoline_lowered:
0x8: {  	[smem:$0x3FA9] =	sst s0  }
0x9: {  	[smem:$0x3FAA] =	sst s1  }
0xa: {  	[smem:$0x3FAB] =	sst s2  }
0xb: {  	[smem:$0x3FAC] =	sst s3  }
0xc: {  	[smem:$0x3FAD] =	sst s4  }
0xd: {  	[smem:$0x3FAE] =	sst s5  }
0xe: {  	[smem:$0x3FAF] =	sst s6  }
0xf: {  	[smem:$0x3FB0] =	sst s7  }
0x10: {  	[smem:$0x3FB1] =	sst s8  }
0x11: {  	[smem:$0x3FB2] =	sst s9;
	s0 =	simm.s32 @!p0 $0x0  }
0x12: {  	s1 =	sld [smem:$0x3F98];
	s0 =	simm.s32 @p0 $0x1  }
0x13: {  	[smem:$0x3FB3] =	sst s0;
	s0 =	simm.s32 @!p1 $0x0  }
0x14: {  	s2 =	sld [smem:$0x3F97];
	s0 =	simm.s32 @p1 $0x1  }
0x15: {  	[smem:$0x3FB4] =	sst s0;
	s0 =	simm.s32 @!p2 $0x0  }
0x16: {  	s3 =	sld [smem:$0x3FDB];
	s0 =	simm.s32 @p2 $0x1  }
0x17: {  	s4 =	simm.s32 $0x1BF5;
	[smem:$0x3FB6] =	sst s0  }
0x18: {  	s0 =	sld [smem:$0x3F99];
	_ =	swait.ge [sflag:s4], $0x0  }
0x19: {  	s7 =	sld [smem:$0x3F9A]  }
0x1a: {  	s8 =	sadd.s32 $0xFFFFE003, lr  }
0x1b: {  	s9 =	sadd.s32 $0xFFFFFEF7, lr;
	s5 =	simm.s32 $0xFFFFFFFF;
	p2 =	slt.u32 s8, $0xFFFFF086  }
0x1c: {  	p1 =	slt.u32 s9, $0xF7A;
	s5 =	simm.s32 @!p2 $0x0  }
0x1d: {  	s5 =	simm.s32 @p1 $0x1;
	p0 =	seq.s32 s7, s2  }
0x1e: {  	s7 =	smul.u32 @!p0 $0xF7A, s2;
	p2 =	seq.s32 @!p0 s5, $0x0  }
0x1f: {  	s9 =	smul.u32 $0xF7A, s1;
	s8 =	simm.s32 @!p0 $0x1BF5;
	p2 =	por !p2, p0  }
0x20: {  	[sflag:s8] =	ssyncset.s32 @!p0 $0xFFFFF086;
	s6 =	sadd.s32 @!p0 s3, s7;
	s7 =	simm.s32 @!p0 $0x108  }
0x21: {  	s3 =	sadd.s32 s3, s9;
	s6 =	sadd.s32 @!p0 $0x88, s6;
	s7 =	simm.s32 @p2 $0x1082  }
0x22: {  	[simem:s7], [sflag:s8] =	dma.local @!p0 [hbm:s6], $0xF7A  }
0x23: {  	s9 =	sor.u32 $0xD0000000, s2;
	s6 =	simm.s32 $0x108;
	_ =	swait.ge @!p0 [sflag:s8], $0x0  }
0x24: {  	s3 =	sadd.s32 $0x88, s3;
	s6 =	simm.s32 @!p1 $0x1082;
	[sflag:s4] =	ssyncset.s32 $0xFFFFF086  }
0x25: {  	[simem:s6], [sflag:s4] =	dma.local [hbm:s3], $0xF7A  }
0x26: {  	[smem:$0x3F9A] =	sst s1;
	(tag) =	ssettag s2;
	_ =	strace s9  }
0x27: {  	s1 =	sld [smem:$0x3FAA]  }
0x28: {  	s2 =	sld [smem:$0x3FAB]  }
0x29: {  	s4 =	sld [smem:$0x3FAD]  }
0x2a: {  	p0 =	seq.s32 s5, $0x0;
	s5 =	sld [smem:$0x3FAE]  }
0x2b: {  	s6 =	sld [smem:$0x3FAF]  }
0x2c: {  	s7 =	sld [smem:$0x3FB0]  }
0x2d: {  	s3 =	simm.s32 $0x108;
	s8 =	sld [smem:$0x3FB1]  }
0x2e: {  	s3 =	simm.s32 @!p0 $0x1082;
	s9 =	sld [smem:$0x3FB2]  }
0x2f: {  	lr =	sadd.s32 s0, s3;
	s0 =	sld [smem:$0x3FA9]  }
0x30: {  	s3 =	sld [smem:$0x3FAC]  }
0x31: {  	[smem:$0x3FB5] =	sst s10  }
0x32: {  	s10 =	sld [smem:$0x3FB3];
	_ =	sdelay $0x3  }
0x33: {  	p0 =	seq.s32 s10, $0x1;
	s10 =	sld [smem:$0x3FB5];
	_ =	sdelay $0x3  }
0x34: {  	[smem:$0x3FB5] =	sst s10  }
0x35: {  	s10 =	sld [smem:$0x3FB4];
	_ =	sdelay $0x3  }
0x36: {  	p1 =	seq.s32 s10, $0x1;
	s10 =	sld [smem:$0x3FB5];
	_ =	sdelay $0x3  }
0x37: {  	[smem:$0x3FB5] =	sst s10  }
0x38: {  	s10 =	sld [smem:$0x3FB6]  }
0x39: {  	_ = 	snop;
	(pc) =	sbr.ind lr, $3  }
0x3a: {  	_ = 	snop  }
0x3b: {  	_ = 	snop  }
0x3c: {  	p2 =	seq.s32 s10, $0x1;
	s10 =	sld [smem:$0x3FB5]  }
0x3d: {  	_ =	shalt  }
0x3e: {  	_ =	shalt  }
0x3f: {  	_ =	shalt  }
0x40: {  	_ =	shalt  }
0x41: {  	_ =	shalt  }
0x42: {  	_ =	shalt  }
0x43: {  	_ =	shalt  }
0x44: {  	_ =	shalt  }
0x45: {  	_ =	shalt  }
0x46: {  	_ =	shalt  }
0x47: {  	_ =	shalt  }
0x48: {  	_ =	shalt  }
0x49: {  	_ =	shalt  }
0x4a: {  	_ =	shalt  }
0x4b: {  	_ =	shalt  }
0x4c: {  	_ =	shalt  }
0x4d: {  	_ =	shalt  }
0x4e: {  	_ =	shalt  }
0x4f: {  	_ =	shalt  }
0x50: {  	_ =	shalt  }
0x51: {  	_ =	shalt  }
0x52: {  	_ =	shalt  }
0x53: {  	_ =	shalt  }
0x54: {  	_ =	shalt  }
0x55: {  	_ =	shalt  }
0x56: {  	_ =	shalt  }
0x57: {  	_ =	shalt  }
0x58: {  	_ =	shalt  }
0x59: {  	_ =	shalt  }
0x5a: {  	_ =	shalt  }
0x5b: {  	_ =	shalt  }
0x5c: {  	_ =	shalt  }
0x5d: {  	_ =	shalt  }
0x5e: {  	_ =	shalt  }
0x5f: {  	_ =	shalt  }
0x60: {  	_ =	shalt  }
0x61: {  	_ =	shalt  }
0x62: {  	_ =	shalt  }
0x63: {  	_ =	shalt  }
0x64: {  	_ =	shalt  }
0x65: {  	_ =	shalt  }
0x66: {  	_ =	shalt  }
0x67: {  	_ =	shalt  }
0x68: {  	_ =	shalt  }
0x69: {  	_ =	shalt  }
0x6a: {  	_ =	shalt  }
0x6b: {  	_ =	shalt  }
0x6c: {  	_ =	shalt  }
0x6d: {  	_ =	shalt  }
0x6e: {  	_ =	shalt  }
0x6f: {  	_ =	shalt  }
0x70: {  	_ =	shalt  }
0x71: {  	_ =	shalt  }
0x72: {  	_ =	shalt  }
0x73: {  	_ =	shalt  }
0x74: {  	_ =	shalt  }
0x75: {  	_ =	shalt  }
0x76: {  	_ =	shalt  }
0x77: {  	_ =	shalt  }
0x78: {  	_ =	shalt  }
0x79: {  	_ =	shalt  }
0x7a: {  	_ =	shalt  }
0x7b: {  	_ =	shalt  }
0x7c: {  	_ =	shalt  }
0x7d: {  	_ =	shalt  }
0x7e: {  	_ =	shalt  }
0x7f: {  	_ =	shalt  }
0x80: {  	_ =	shalt  }
0x81: {  	_ =	shalt  }
0x82: {  	_ =	shalt  }
0x83: {  	_ =	shalt  }
0x84: {  	_ =	shalt  }
0x85: {  	_ =	shalt  }
0x86: {  	_ =	shalt  }
0x87: {  	_ =	shalt  }
.Lfunc_end0:
.L_simem_size_0:
called_computation_lowered:
.L_overlay_start_0:
0x88: {  	s2 =	sld [smem:$0x3FD9]  }
0x89: {  	s3 =	sld [smem:$0x3FFE];
	_ =	sdelay $0x1  }
0x8a: {  	s1 =	srdreg.scid  }
0x8b: {  	s0 =	sand.u32 $0x1, s1  }
0x8c: {  	s17 =	sshll.u32 s0, $0xA;
	s2 =	sadd.s32 s3, s2  }
0x8d: {  	s2 =	sadd.s32 s2, s17  }
0x8e: {  	[smem:$0x3FC1] =	sst s2  }
0x8f: {  	_ = 	snop  }
0x90: {  	s2 =	sld [smem:$0x3FC9]  }
0x91: {  	s18 =	sld [smem:$0x3FD0];
	(tm) =	ssettm $0x1  }
0x92: {  	s4 =	sld [smem:$0x3FFB];
	_ =	sdelay $0x3  }
0x93: {  	_ =	strace s4  }
0x94: {  	s4 =	sld [smem:$0x3FFC];
	_ =	sdelay $0x3  }
0x95: {  	_ =	strace s4  }
0x96: {  	s4 =	sld [smem:$0x3FFD];
	_ =	sdelay $0x3  }
0x97: {  	_ =	strace s4  }
0x98: {  	_ =	strace $0x8FFFFFFF  }
0x99: {  	s19 =	sld [smem:$0x3FDB];
	_ =	sdelay $0x1  }
0x9a: {  	s5 =	simm.s32 $_scs_section_size  }
0x9b: {  	s6 =	simm.s32 $_size__tile_overlayer_lowered;
	s7 =	simm.s32 $_tile_overlayer_lowered  }
0x9c: {  	s22 =	simm.s32 $0x1BFF;
	s21 =	sshll.u32 s7, $0x1;
	s4 =	sadd.s32 s5, s19  }
0x9d: {  	s8 =	simm.s32 $0x0;
	s20 =	sshll.u32 s6, $0x1;
	s6 =	sadd.s32 s21, s4  }
0x9e: {  	[timem:s8], [sflag:s22] =	dma.local [hbm:s6], s20  }
0x9f: {  	_ =	swait.ge [sflag:s22], s20  }
0xa0: {  	s5 =	ssub.s32 $0x0, s20;
	[sflag:s22] =	ssyncset.done $0x0  }
0xa1: {  	[sflag:s22] =	ssyncadd.s32 s5;
	_ =	sdelay $0x1  }
0xa2: {  	s23 =	simm.s32 $0x1B8B  }
0xa3: {  	_ =	swait.ge [sflag:s23], $0x1  }
0xa4: {  	[sflag:s23] =	ssyncset.done $0x0  }
0xa5: {  	s25 =	simm.s32 $0x1B8E;
	s24 =	sld [smem:$0x3FFE];
	[sflag:s23] =	ssyncadd.s32 $0xFFFFFFFF  }
0xa6: {  	s26 =	simm.s32 $execute0_lowered;
	[smem:$0x3FD2] =	sst s25  }
0xa7: {  	s6 =	sshll.u32 s26, $0x1;
	_ =	strace $0x80000046;
	[dreg:$0x1] =	wrdreg $0xFFFFFFFF  }
0xa8: {  	s28 =	simm.s32 $_size_execute0_lowered;
	s4 =	sadd.s32 s4, s6;
	[dreg:$0x0] =	wrdreg $0x0  }
0xa9: {  	s6 =	sshll.u32 s28, $0x1;
	[dreg:$0x2] =	wrdreg s4  }
0xaa: {  	[dreg:$0x3] =	wrdreg s6  }
0xab: {  	[dreg:$0x4] =	wrdreg $0xC0  }
0xac: {  	_ =	task [dreg:s8], $0x5FFFF  }
0xad: {  	[dreg:$0x1] =	wrdreg $0xFFFFFFFF  }
0xae: {  	[dreg:$0x0] =	wrdreg $0x60  }
0xaf: {  	[dreg:$0x2] =	wrdreg s2  }
0xb0: {  	[dreg:$0x3] =	wrdreg s18  }
0xb1: {  	[dreg:$0x4] =	wrdreg s24  }
0xb2: {  	[dreg:$0x5] =	wrdreg $0xB8000  }
0xb3: {  	[dreg:$0x6] =	wrdreg $0x9  }
0xb4: {  	_ =	task.clear_ibuf [dreg:s8], $0x7FFFF;
	_ =	strace $0x90000046  }
0xb5: {  	s29 =	simm.s32 $0x9;
	_ =	strace $0x80000048  }
0xb6: {  	_ =	swait.ge [sflag:s29], $0x1  }
0xb7: {  	[sflag:s29] =	ssyncadd.s32 $0xFFFFFFFF  }
0xb8: {  	_ =	strace $0x90000048  }
0xb9: {  	_ =	sfence  }
0xba: {  	s30 =	sld [smem:$0x0];
	_ =	sdelay $0x2  }
0xbb: {  	s31 =	sshll.u32 s1, $0xD;
	s1 =	sshrl.u32 s1, $0x2  }
0xbc: {  	s3 =	sand.u32 $0x4000, s31;
	s1 =	sadd.s32 s1, s30  }
0xbd: {  	s0 =	sor.u32 s3, s0;
	s1 =	sshll.u32 s1, $0x11  }
0xbe: {  	s0 =	sor.u32 s1, s0  }
0xbf: {  	s0 =	sadd.s32 $0x8F2B, s0  }
0xc0: {  	[sflag:s0] =	ssyncadd.remote.s32 $0x1  }
0xc1: {  	_ =	sfence.sel $0xFFFF  }
0xc2: {  	[dreg:$0x0] =	wrdreg $0xFFFFFFFF;
	(pc) =	sbr.abs _section_cstart, $3  }
0xc3: {  	[dreg:$0x1] =	wrdreg $0xFFFFFFFF  }
0xc4: {  	_ =	task.clear_ibuf [dreg:s8], $0x2FFFF;
	_ =	strace $0x9FFFFFFF  }
0xc5: {  	(tm) =	ssettm $0x7FFFFFFF  }
tec
execute0_lowered:
.L_overlay_start_1:
0x0: {  	(tag) =	ssettag $0x1  }
0x1: {  	s1 =	rddreg [dreg:$0x0]  }
0x2: {  	s2 =	rddreg [dreg:$0x1]  }
0x3: {  	s0 =	srdreg.scid;
	s8 =	rddreg [dreg:$0x2]  }
0x4: {  	s28 =	stileid.u32;
	s4 =	rddreg [dreg:$0x3];
	s5 =	simm.s32 $0x0  }
0x5: {  	s18 =	simm.s32 $0x3;
	s19 =	simm.s32 $0x800;
	s20 =	simm.s32 $0x80  }
0x6: {  	s21 =	simm.s32 $0x5000;
	s22 =	simm.s32 $0x9000;
	s23 =	simm.s32 $0x1  }
0x7: {  	s24 =	simm.s32 $0x2;
	s25 =	stileid.u32;
	s7 =	sand.u32 $0x1, s0  }
0x8: {  	s9 =	sshll.u32 s28, $0x7;
	[smem:$0x7FF] =	sst s5;
	s10 =	smul.u32 $0x50000, s28  }
0x9: {  	s13 =	sadd.s32 $0x15600, s8;
	s14 =	smul.u32 $0x14000, s28;
	p0 =	seq.s32 s28, $0xF  }
0xa: {  	s3 =	sshll.u32 s7, $0x4;
	s9 =	sand.u32 $0x380, s9;
	_ =	strace $0x80000047  }
0xb: {  	s29 =	ssub.s32 $0x2, s7;
	s11 =	smul.u32 $0x138800, s7;
	s12 =	sor.u32 s28, s3  }
0xc: {  	s30 =	sshrl.u32 s10, $0x2;
	s31 =	sshrl.u32 s29, $0x1;
	s3 =	sshrl.u32 s12, $0x3  }
0xd: {  	s7 =	sadd.s32 s30, s4;
	s16 =	ssub.s32 s29, s31;
	s12 =	smul.u32 $0x50, s12  }
0xe: {  	s14 =	sadd.s32 s14, s11;
	s17 =	sshrl.u32 s11, $0x3;
	s6 =	smul.u32 $0x14000, s3  }
0xf: {  	s10 =	sadd.s32 $0xC000, s7;
	s11 =	sadd.s32 $0x10000, s7;
	s14 =	sshrl.u32 s14, $0x3  }
0x10: {  	s17 =	sadd.s32 s13, s17;
	s16 =	smax.u32 s16, $0x1;
	s6 =	sor.u32 s9, s6  }
0x11: {  	s13 =	sadd.s32 s13, s14;
	s14 =	sadd.s32 $0x25800, s17;
	s9 =	sshrl.u32 s6, $0x3  }
0x12: {  	s17 =	simm.s32 $0x1000;
	s6 =	sadd.s32 $0x1600, s8;
	s15 =	sadd.s32 s9, s8  }
0x13: {  	v0 =	vimm.f32 $0.0e+00;
	v1 =	vlaneseq.u32;
	vm0 =	vmmov $0xffff;
	s8 =	sadd.s32 $0x4000, s7;
	s9 =	sadd.s32 $0x8000, s7;
	s15 =	sadd.s32 $0xB600, s15  }
.LBB2_1:
0x14: {  	s26 =	simm.s32 $0x0;
	s28 =	simm.s32 $0x200  }
.LBB2_2:
0x15: {  	p1 =	sne.s32 s28, $0xFE00;
	[tilespmem:s26+$0x1070] =	vst v0  }
0x16: {  	[tilespmem:s26+$0x1000] =	vst v0  }
0x17: {  	[tilespmem:s26+$0x1010] =	vst v0  }
.Ltmp0:
0x18: {  	[tilespmem:s26+$0x1020] =	vst v0;
	(pc) =	sbr.rel @p1 .LBB2_2-.Ltmp0, $4  }
0x19: {  	[tilespmem:s26+$0x1030] =	vst v0  }
0x1a: {  	[tilespmem:s26+$0x1040] =	vst v0  }
0x1b: {  	[tilespmem:s26+$0x1050] =	vst v0  }
0x1c: {  	[tilespmem:s26+$0x1060] =	vst v0;
	s26 =	sshra.s32 s28, $0x2;
	s28 =	sadd.s32 $0x200, s28  }
0x1d: {  	[tilespmem:s26+$0x1070] =	vst v0  }
0x1e: {  	[tilespmem:s26+$0x1000] =	vst v0  }
0x1f: {  	[tilespmem:s26+$0x1010] =	vst v0  }
0x20: {  	[tilespmem:s26+$0x1020] =	vst v0  }
0x21: {  	[tilespmem:s26+$0x1030] =	vst v0  }
0x22: {  	[tilespmem:s26+$0x1040] =	vst v0  }
0x23: {  	[tilespmem:s26+$0x1050] =	vst v0  }
0x24: {  	[tilespmem:s26+$0x1060] =	vst v0;
	s26 =	simm.s32 $0x40;
	s28 =	simm.s32 $0x0  }
.LBB2_4:
0x25: {  	p1 =	sne.s32 s26, $0x9FC0;
	[tilespmem:s28+$0x9000] =	vst v0;
	s28 =	smov.u32 s26;
	s26 =	sadd.s32 $0x40, s26  }
.Ltmp1:
0x26: {  	(pc) =	sbr.rel @p1 .LBB2_4-.Ltmp1, $2  }
0x27: {  	_ =	sdelay $0x2  }
0x28: {  	s28 =	sshra.s32 s28, $0x2  }
0x29: {  	[tilespmem:s28+$0x9000] =	vst v0  }
0x2a: {  	[spmem:s7] =	stream.linear.scatter [tilespmem:s17], [sflag:$0x3], $0x4000, $0x38;
	[tilespmem:$0x1F800] =	vst v63  }
0x2b: {  	_ =	swait.ge [sflag:s18], $0x4000  }
0x2c: {  	[sflag:s18] =	ssyncset.done $0x0  }
0x2d: {  	[sflag:s18] =	ssyncadd.s32 $0xFFFFC000  }
0x2e: {  	[spmem:s8] =	stream.linear.scatter [tilespmem:s17], [sflag:$0x3], $0x4000, $0x38;
	[tilespmem:$0x1F800] =	vst v63  }
0x2f: {  	_ =	swait.ge [sflag:s18], $0x4000  }
0x30: {  	[sflag:s18] =	ssyncset.done $0x0  }
0x31: {  	[sflag:s18] =	ssyncadd.s32 $0xFFFFC000  }
0x32: {  	[spmem:s9] =	stream.linear.scatter [tilespmem:s17], [sflag:$0x3], $0x4000, $0x38;
	[tilespmem:$0x1F800] =	vst v63  }
0x33: {  	_ =	swait.ge [sflag:s18], $0x4000  }
0x34: {  	[sflag:s18] =	ssyncset.done $0x0  }
0x35: {  	[sflag:s18] =	ssyncadd.s32 $0xFFFFC000  }
0x36: {  	[spmem:s10] =	stream.linear.scatter [tilespmem:s17], [sflag:$0x3], $0x4000, $0x38;
	[tilespmem:$0x1F800] =	vst v63  }
0x37: {  	_ =	swait.ge [sflag:s18], $0x4000  }
0x38: {  	[sflag:s18] =	ssyncset.done $0x0  }
0x39: {  	[sflag:s18] =	ssyncadd.s32 $0xFFFFC000  }
0x3a: {  	[spmem:s11] =	stream.linear.scatter [tilespmem:s17], [sflag:$0x3], $0x4000, $0x38;
	[tilespmem:$0x1F800] =	vst v63  }
0x3b: {  	_ =	swait.ge [sflag:s18], $0x4000  }
0x3c: {  	[sflag:s18] =	ssyncset.done $0x0  }
0x3d: {  	[sflag:s18] =	ssyncadd.s32 $0xFFFFC000  }
0x3e: {  	s26 =	simm.s32 $0x0;
	s28 =	simm.s32 $0x0;
	[bflag:$0x0] =	sbarrier.arrive $0xFFFF  }
.LBB2_6:
0x3f: {  	s29 =	sshll.u32 s28, $0x4  }
0x40: {  	s29 =	sadd.s32 s12, s29  }
0x41: {  	v2 =	vor.u32 s29, v1;
	_ =	sdelay $0x4  }
0x42: {  	[tilespmem:s26], [sflag:$0x3] =	stream.indirect_vreg.gather [hbm4b:s2+s26], $0x80, v2, vm0, $0xb8;
	[tilespmem:$0x1F800] =	vst v63  }
0x43: {  	_ =	swait.ge [sflag:s18], $0x800  }
0x44: {  	[sflag:s18] =	ssyncset.done $0x0  }
0x45: {  	[sflag:s18] =	ssyncadd.s32 $0xFFFFF800  }
0x46: {  	[tilespmem:s19], [sflag:$0x3] =	stream.indirect_vreg.gather [hbm4b:s6+s26], $0x80, v2, vm0, $0xb8;
	[tilespmem:$0x1F800] =	vst v63  }
0x47: {  	_ =	swait.ge [sflag:s18], $0x800  }
0x48: {  	[sflag:s18] =	ssyncset.done $0x0  }
0x49: {  	s29 =	simm.s32 $0x0;
	[sflag:s18] =	ssyncadd.s32 $0xFFFFF800  }
0x4a: {  	[tilespmem:s17], [sflag:$0x1] =	stream.indirect.gather [hbm4b:s1+s20], $0x80, s26, s20, $0xb8;
	[tilespmem:$0x1F800] =	vst v63  }
.LBB2_7:
0x4b: {  	s30 =	sshra.s32 s29, $0x2  }
0x4c: {  	s31 =	sadd.s32 $0x80, s30  }
0x4d: {  	[tilespmem:s21], [sflag:$0x2] =	stream.indirect.gather [hbm4b:s1+s20], $0x80, s31, s20, $0xb8;
	[tilespmem:$0x1F800] =	vst v63  }
0x4e: {  	v2 =	vld [tilespmem:s30+$0x800];
	_ =	sdelay $0x4  }
0x4f: {  	(xrf1) =	vunique.msk.u32 $0xffff, v2;
	_ =	sdelay $0xd  }
0x50: {  	_, v3, vm1 =	vpop (xrf1);
	_ =	sdelay $0x3  }
0x51: {  	v3 =	vcvt.s32.f32 v3;
	_ =	sdelay $0x1  }
0x52: {  	[tilespmem:v2+s22+$0x0] =	vst.idx.add.f32.msk vm1, v3  }
0x53: {  	v2 =	vld [tilespmem:s30+$0x810];
	_ =	sdelay $0x4  }
0x54: {  	(xrf1) =	vunique.msk.u32 $0xffff, v2;
	_ =	sdelay $0xd  }
0x55: {  	_, v3, vm1 =	vpop (xrf1);
	_ =	sdelay $0x3  }
0x56: {  	v3 =	vcvt.s32.f32 v3;
	_ =	sdelay $0x1  }
0x57: {  	[tilespmem:v2+s22+$0x0] =	vst.idx.add.f32.msk vm1, v3  }
0x58: {  	v2 =	vld [tilespmem:s30+$0x820];
	_ =	sdelay $0x4  }
0x59: {  	(xrf1) =	vunique.msk.u32 $0xffff, v2;
	_ =	sdelay $0xd  }
0x5a: {  	_, v3, vm1 =	vpop (xrf1);
	_ =	sdelay $0x3  }
0x5b: {  	v3 =	vcvt.s32.f32 v3;
	_ =	sdelay $0x1  }
0x5c: {  	[tilespmem:v2+s22+$0x0] =	vst.idx.add.f32.msk vm1, v3  }
0x5d: {  	v2 =	vld [tilespmem:s30+$0x830];
	_ =	sdelay $0x4  }
0x5e: {  	(xrf1) =	vunique.msk.u32 $0xffff, v2;
	_ =	sdelay $0xd  }
0x5f: {  	_, v3, vm1 =	vpop (xrf1);
	_ =	sdelay $0x3  }
0x60: {  	v3 =	vcvt.s32.f32 v3;
	_ =	sdelay $0x1  }
0x61: {  	[tilespmem:v2+s22+$0x0] =	vst.idx.add.f32.msk vm1, v3  }
0x62: {  	v2 =	vld [tilespmem:s30+$0x840];
	_ =	sdelay $0x4  }
0x63: {  	(xrf1) =	vunique.msk.u32 $0xffff, v2;
	_ =	sdelay $0xd  }
0x64: {  	_, v3, vm1 =	vpop (xrf1);
	_ =	sdelay $0x3  }
0x65: {  	v3 =	vcvt.s32.f32 v3;
	_ =	sdelay $0x1  }
0x66: {  	[tilespmem:v2+s22+$0x0] =	vst.idx.add.f32.msk vm1, v3  }
0x67: {  	v2 =	vld [tilespmem:s30+$0x850];
	_ =	sdelay $0x4  }
0x68: {  	(xrf1) =	vunique.msk.u32 $0xffff, v2;
	_ =	sdelay $0xd  }
0x69: {  	_, v3, vm1 =	vpop (xrf1);
	_ =	sdelay $0x3  }
0x6a: {  	v3 =	vcvt.s32.f32 v3;
	_ =	sdelay $0x1  }
0x6b: {  	[tilespmem:v2+s22+$0x0] =	vst.idx.add.f32.msk vm1, v3  }
0x6c: {  	v2 =	vld [tilespmem:s30+$0x860];
	_ =	sdelay $0x4  }
0x6d: {  	(xrf1) =	vunique.msk.u32 $0xffff, v2;
	_ =	sdelay $0xd  }
0x6e: {  	_, v3, vm1 =	vpop (xrf1);
	_ =	sdelay $0x3  }
0x6f: {  	v3 =	vcvt.s32.f32 v3;
	_ =	sdelay $0x1  }
0x70: {  	[tilespmem:v2+s22+$0x0] =	vst.idx.add.f32.msk vm1, v3  }
0x71: {  	v2 =	vld [tilespmem:s30+$0x870];
	_ =	sdelay $0x4  }
0x72: {  	(xrf1) =	vunique.msk.u32 $0xffff, v2;
	_ =	sdelay $0xd  }
0x73: {  	_, v3, vm1 =	vpop (xrf1);
	_ =	sdelay $0x3  }
0x74: {  	v3 =	vcvt.s32.f32 v3;
	_ =	sdelay $0x1  }
0x75: {  	[tilespmem:v2+s22+$0x0] =	vst.idx.add.f32.msk vm1, v3  }
0x76: {  	_ =	swait.ge [sflag:s23], $0x4000  }
0x77: {  	[sflag:s23] =	ssyncset.done $0x0  }
0x78: {  	s3 =	sadd.s32 $0x800, s30;
	[sflag:s23] =	ssyncadd.s32 $0xFFFFC000  }
0x79: {  	[spmem:s4] =	stream.indirect.scatter.add.f32 [tilespmem:s17], [sflag:$0x3], $0x80, s3, s20, $0xb8;
	[tilespmem:$0x1F800] =	vst v63  }
0x7a: {  	p1 =	seq.s32 s29, $0x1C00;
	_ =	swait.ge [sflag:s18], $0x4000  }
0x7b: {  	s0 =	simm.s32 @!p1 $0x1000;
	s31 =	sshra.s32 @!p1 s29, $0x2;
	[sflag:s18] =	ssyncset.done $0x0  }
0x7c: {  	s31 =	sadd.s32 @!p1 $0x100, s31;
	s3 =	simm.s32 @!p1 $0x80;
	[sflag:s18] =	ssyncadd.s32 $0xFFFFC000  }
0x7d: {  	[tilespmem:s0], [sflag:$0x1] =	stream.indirect.gather @!p1 [hbm4b:s1+s3], $0x80, s31, s3, $0xb8;
	[tilespmem:$0x1F800] =	vst v63  }
0x7e: {  	v2 =	vld [tilespmem:s30+$0x880];
	_ =	sdelay $0x4  }
0x7f: {  	(xrf1) =	vunique.msk.u32 $0xffff, v2;
	_ =	sdelay $0xd  }
0x80: {  	_, v3, vm1 =	vpop (xrf1);
	_ =	sdelay $0x3  }
0x81: {  	v3 =	vcvt.s32.f32 v3;
	_ =	sdelay $0x1  }
0x82: {  	[tilespmem:v2+s22+$0x0] =	vst.idx.add.f32.msk vm1, v3  }
0x83: {  	v2 =	vld [tilespmem:s30+$0x890];
	_ =	sdelay $0x4  }
0x84: {  	(xrf1) =	vunique.msk.u32 $0xffff, v2;
	_ =	sdelay $0xd  }
0x85: {  	_, v3, vm1 =	vpop (xrf1);
	_ =	sdelay $0x3  }
0x86: {  	v3 =	vcvt.s32.f32 v3;
	_ =	sdelay $0x1  }
0x87: {  	[tilespmem:v2+s22+$0x0] =	vst.idx.add.f32.msk vm1, v3  }
0x88: {  	v2 =	vld [tilespmem:s30+$0x8A0];
	_ =	sdelay $0x4  }
0x89: {  	(xrf1) =	vunique.msk.u32 $0xffff, v2;
	_ =	sdelay $0xd  }
0x8a: {  	_, v3, vm1 =	vpop (xrf1);
	_ =	sdelay $0x3  }
0x8b: {  	v3 =	vcvt.s32.f32 v3;
	_ =	sdelay $0x1  }
0x8c: {  	[tilespmem:v2+s22+$0x0] =	vst.idx.add.f32.msk vm1, v3  }
0x8d: {  	v2 =	vld [tilespmem:s30+$0x8B0];
	_ =	sdelay $0x4  }
0x8e: {  	(xrf1) =	vunique.msk.u32 $0xffff, v2;
	_ =	sdelay $0xd  }
0x8f: {  	_, v3, vm1 =	vpop (xrf1);
	_ =	sdelay $0x3  }
0x90: {  	v3 =	vcvt.s32.f32 v3;
	_ =	sdelay $0x1  }
0x91: {  	[tilespmem:v2+s22+$0x0] =	vst.idx.add.f32.msk vm1, v3  }
0x92: {  	v2 =	vld [tilespmem:s30+$0x8C0];
	_ =	sdelay $0x4  }
0x93: {  	(xrf1) =	vunique.msk.u32 $0xffff, v2;
	_ =	sdelay $0xd  }
0x94: {  	_, v3, vm1 =	vpop (xrf1);
	_ =	sdelay $0x3  }
0x95: {  	v3 =	vcvt.s32.f32 v3;
	_ =	sdelay $0x1  }
0x96: {  	[tilespmem:v2+s22+$0x0] =	vst.idx.add.f32.msk vm1, v3  }
0x97: {  	v2 =	vld [tilespmem:s30+$0x8D0];
	_ =	sdelay $0x4  }
0x98: {  	(xrf1) =	vunique.msk.u32 $0xffff, v2;
	_ =	sdelay $0xd  }
0x99: {  	_, v3, vm1 =	vpop (xrf1);
	_ =	sdelay $0x3  }
0x9a: {  	v3 =	vcvt.s32.f32 v3;
	_ =	sdelay $0x1  }
0x9b: {  	[tilespmem:v2+s22+$0x0] =	vst.idx.add.f32.msk vm1, v3  }
0x9c: {  	v2 =	vld [tilespmem:s30+$0x8E0];
	_ =	sdelay $0x4  }
0x9d: {  	(xrf1) =	vunique.msk.u32 $0xffff, v2;
	_ =	sdelay $0xd  }
0x9e: {  	_, v3, vm1 =	vpop (xrf1);
	_ =	sdelay $0x3  }
0x9f: {  	v3 =	vcvt.s32.f32 v3;
	_ =	sdelay $0x1  }
0xa0: {  	[tilespmem:v2+s22+$0x0] =	vst.idx.add.f32.msk vm1, v3  }
0xa1: {  	v2 =	vld [tilespmem:s30+$0x8F0];
	_ =	sdelay $0x4  }
0xa2: {  	(xrf1) =	vunique.msk.u32 $0xffff, v2;
	_ =	sdelay $0xd  }
0xa3: {  	_, v3, vm1 =	vpop (xrf1);
	_ =	sdelay $0x3  }
0xa4: {  	v3 =	vcvt.s32.f32 v3;
	_ =	sdelay $0x1  }
0xa5: {  	[tilespmem:v2+s22+$0x0] =	vst.idx.add.f32.msk vm1, v3  }
0xa6: {  	s29 =	sadd.s32 $0x400, s29;
	_ =	swait.ge [sflag:s24], $0x4000  }
0xa7: {  	p1 =	sne.s32 s29, $0x2000;
	[sflag:s24] =	ssyncset.done $0x0  }
.Ltmp2:
0xa8: {  	s31 =	sadd.s32 $0x880, s30;
	[sflag:s24] =	ssyncadd.s32 $0xFFFFC000;
	(pc) =	sbr.rel @p1 .LBB2_7-.Ltmp2, $4  }
0xa9: {  	[spmem:s4] =	stream.indirect.scatter.add.f32 [tilespmem:s21], [sflag:$0x3], $0x80, s31, s20, $0xb8;
	[tilespmem:$0x1F800] =	vst v63  }
0xaa: {  	_ =	swait.ge [sflag:s18], $0x4000  }
0xab: {  	[sflag:s18] =	ssyncset.done $0x0  }
0xac: {  	[sflag:s18] =	ssyncadd.s32 $0xFFFFC000  }
0xad: {  	s28 =	sadd.s32 $0x1, s28  }
0xae: {  	p1 =	sne.s32 s28, $0x5  }
.Ltmp3:
0xaf: {  	_ = 	snop;
	(pc) =	sbr.rel @p1 .LBB2_6-.Ltmp3, $1  }
0xb0: {  	_ =	sdelay $0x3  }
0xb1: {  	[bflag:$0x0] =	sbarrier.arrive $0xFFFF;
	s0 =	sshrl.u32 @p0 s7, $0x3;
	s3 =	simm.s32 @p0 $0x1FC3  }
0xb2: {  	[hbm:s14], [sflag:s3] =	dma.local @p0 [spmem:s0], $0x1900  }
0xb3: {  	s0 =	simm.s32 @p0 $0x3  }
0xb4: {  	_ =	swait.ge @p0 [sflag:s0], $0x1900  }
0xb5: {  	s3 =	sshll.u32 @!p0 s25, $0x6;
	[sflag:s0] =	ssyncset.done @p0 $0x0  }
0xb6: {  	[sflag:s0] =	ssyncadd.s32 @p0 $0xFFFFE700;
	s0 =	sor.u32 @!p0 $0x1C03, s3;
	s3 =	sshrl.u32 @!p0 s7, $0x3  }
0xb7: {  	[hbm:s13], [sflag:s0] =	dma.local @!p0 [spmem:s3], $0x2800  }
0xb8: {  	s0 =	simm.s32 @!p0 $0x3  }
0xb9: {  	s5 =	sadd.s32 $0x1, s5;
	_ =	swait.ge @!p0 [sflag:s0], $0x2800  }
0xba: {  	p1 =	sne.s32 s5, s16;
	[sflag:s0] =	ssyncset.done @!p0 $0x0  }
.Ltmp4:
0xbb: {  	s31 =	simm.s32 $0x400;
	[sflag:s0] =	ssyncadd.s32 @!p0 $0xFFFFD800;
	(pc) =	sbr.rel @p1 .LBB2_1-.Ltmp4, $4  }
0xbc: {  	[hbm4b:s15+s20] =	stream.strided.scatter [tilespmem:s22], [sflag:$0x3], $0x2800, s31, s20, $0x38;
	[tilespmem:$0x1F800] =	vst v63  }
0xbd: {  	_ =	swait.ge [sflag:s18], $0x2800  }
0xbe: {  	[sflag:s18] =	ssyncset.done $0x0  }
0xbf: {  	[sflag:s18] =	ssyncadd.s32 $0xFFFFD800  }
0xc0: {  	_ =	sfence.sel $0x180000  }
0xc1: {  	[bflag:$0x0] =	sbarrier.arrive $0xFFFF  }
0xc2: {  	_ =	strace $0x90000047  }
0xc3: {  	[bflag:$0x2] =	sbarrier.arrive $0xFFFF  }
0xc4: {  	p0 =	sne.s32 s25, $0x0;
	s0 =	rddreg [dreg:$0x4]  }
0xc5: {  	s0 =	sadd.s32 @!p0 $0x100000, s0  }
0xc6: {  	[sflag:s0] =	ssyncadd.tile.s32 @!p0 $0x1;
	_ =	shalt  }
.Lfunc_end2:
_tile_overlayer_lowered:
.L_overlay_start_2:
0xc7: {  	(tag) =	ssettag $0x2  }
0xc8: {  	s0 =	rddreg [dreg:$0x0];
	s2 =	stileid.u32  }
0xc9: {  	s1 =	rddreg [dreg:$0x1];
	p0 =	sne.s32 s2, $0x0  }
0xca: {  	s3 =	rddreg [dreg:$0x2];
	[bflag:$0x3] =	sbarrier.arrive $0xFFFF;
	s2 =	simm.s32 @!p0 $0x1C03  }
0xcb: {  	[timem:s3], [sflag:s2] =	dma.local @!p0 [hbm:s0], s1  }
0xcc: {  	s0 =	simm.s32 @!p0 $0x3  }
0xcd: {  	_ =	swait.ge @!p0 [sflag:s0], s1  }
0xce: {  	s1 =	ssub.s32 @!p0 $0x0, s1;
	[sflag:s0] =	ssyncset.done @!p0 $0x0  }
0xcf: {  	[sflag:s0] =	ssyncadd.s32 @!p0 s1  }
0xd0: {  	[bflag:$0x3] =	sbarrier.arrive $0xFFFF  }
0xd1: {  	_ =	shalt  }

</sc_bundles>
